<compile_context>
chip_gen: v7x
topology: tpu7x:2x2x1
jax: 0.10.2.dev20260603
libtpu: 0.0.44.dev20260713+nightly
codegen_flags: <defaults>
</compile_context>

<pallas_src>
import functools

import jax
import jax.numpy as jnp
from jax import lax
from jax.experimental import pallas as pl
from jax.experimental.pallas import tpu as pltpu
from jax.experimental.pallas import tpu_sc as plsc

L = 3
_NC = 2
_NS = 16
_NW = _NC * _NS


def _acc_rows(N):
    return -(-N // (_NS * 8)) * _NS * 8


_NB = 3


def _sc_plan(N, E, chunk=128):
    ew = E // _NW
    nch_s = -(-ew // chunk)
    nch_s = -(-nch_s // _NB) * _NB
    ech = nch_s + 2 * _NB
    return ew, nch_s, ech


def _make_sc_agg(N, D, E, chunk=128):
    ew, nch_s, ech = _sc_plan(N, E, chunk)
    acc_n = _acc_rows(N)
    rpt = acc_n // _NS
    assert ew * _NW == E and chunk <= 128 and chunk % 8 == 0
    mesh = plsc.VectorSubcoreMesh(core_axis_name="c", subcore_axis_name="s")

    @functools.partial(
        pl.kernel,
        mesh=mesh,
        out_type=jax.ShapeDtypeStruct((_NC, acc_n, D), jnp.float32),
        scratch_types=(
            [pltpu.VMEM((chunk,), jnp.int32) for _ in range(_NB)]
            + [pltpu.VMEM((chunk,), jnp.int32) for _ in range(_NB)]
            + [pltpu.VMEM((chunk, D), jnp.float32) for _ in range(_NB)]
            + [pltpu.VMEM_SHARED((acc_n, D), jnp.float32)]
            + [pltpu.SemaphoreType.DMA for _ in range(4 * _NB)]
        ),
    )
    def sc_agg(r_hbm, src_hbm, dst_hbm, zero_hbm, out_hbm, *refs):
        si = refs[:_NB]
        di = refs[_NB:2 * _NB]
        bufs = refs[2 * _NB:3 * _NB]
        acc_sh = refs[3 * _NB]
        sems = refs[3 * _NB + 1:]
        sg = sems[:_NB]
        sc = sems[_NB:2 * _NB]
        sx = sems[2 * _NB:3 * _NB]
        ss = sems[3 * _NB:4 * _NB]
        c = lax.axis_index("c")
        s = lax.axis_index("s")
        wid = s * _NC + c

        def idx_off(j):
            return (j * _NW + wid) * chunk

        def load_idx(j, b):
            pltpu.async_copy(src_hbm.at[pl.ds(idx_off(j), chunk)],
                             si[b], sx[b])
            pltpu.async_copy(dst_hbm.at[pl.ds(idx_off(j), chunk)],
                             di[b], ss[b])

        def wait_si(b):
            pltpu.make_async_copy(src_hbm.at[pl.ds(0, chunk)],
                                  si[b], sx[b]).wait()

        def wait_di(b):
            pltpu.make_async_copy(dst_hbm.at[pl.ds(0, chunk)],
                                  di[b], ss[b]).wait()

        for b in range(_NB):
            load_idx(b, b)

        pltpu.sync_copy(zero_hbm, acc_sh.at[pl.ds(s * rpt, rpt)])
        plsc.subcore_barrier()

        def body(i, carry):
            j = _NB * i
            for b in range(_NB):
                wait_si(b)
            gs = [pltpu.async_copy(r_hbm.at[si[b]], bufs[b], sg[b])
                  for b in range(_NB)]
            for b in range(_NB):
                wait_di(b)
                gs[b].wait()
            scs = [pltpu.async_copy(bufs[b], acc_sh.at[di[b]], sc[b], add=True)
                   for b in range(_NB)]
            for b in range(_NB):
                scs[b].wait()
                load_idx(j + _NB + b, b)
            return carry

        lax.fori_loop(0, nch_s // _NB, body, 0)
        for b in range(_NB):
            wait_si(b)
            wait_di(b)

        plsc.subcore_barrier()
        pltpu.sync_copy(acc_sh.at[pl.ds(s * rpt, rpt)],
                        out_hbm.at[c, pl.ds(s * rpt, rpt)])

    return sc_agg


def _dense_body(h_ref, agg_ref, w1_ref, b1_ref, g1_ref, bt1_ref,
                w2_ref, b2_ref, g2_ref, bt2_ref, eps_ref, o_ref, *, last):
    n = h_ref.shape[0]
    z = (1.0 + eps_ref[0, 0]) * h_ref[...] + agg_ref[0, :n] + agg_ref[1, :n]
    z = lax.dot_general(z, w1_ref[...], (((1,), (1,)), ((), ())),
                        preferred_element_type=jnp.float32) + b1_ref[...]
    mu = jnp.mean(z, axis=0, keepdims=True)
    var = jnp.mean((z - mu) ** 2, axis=0, keepdims=True)
    z = (z - mu) * lax.rsqrt(var + 1e-5) * g1_ref[...] + bt1_ref[...]
    z = jnp.maximum(z, 0.0)
    z = lax.dot_general(z, w2_ref[...], (((1,), (1,)), ((), ())),
                        preferred_element_type=jnp.float32) + b2_ref[...]
    mu = jnp.mean(z, axis=0, keepdims=True)
    var = jnp.mean((z - mu) ** 2, axis=0, keepdims=True)
    z = (z - mu) * lax.rsqrt(var + 1e-5) * g2_ref[...] + bt2_ref[...]
    if not last:
        z = jnp.maximum(z, 0.0)
    o_ref[...] = z


def _dense(h, agg, w1, b1, g1, bt1, w2, b2, g2, bt2, eps_s, last):
    return pl.pallas_call(
        functools.partial(_dense_body, last=last),
        out_shape=jax.ShapeDtypeStruct(h.shape, jnp.float32),
    )(h, agg, w1, b1.reshape(1, -1), g1.reshape(1, -1), bt1.reshape(1, -1),
      w2, b2.reshape(1, -1), g2.reshape(1, -1), bt2.reshape(1, -1),
      eps_s.reshape(1, 1))


def _relu_body(x_ref, o_ref):
    o_ref[...] = jnp.maximum(x_ref[...], 0.0)


def _relu(x):
    return pl.pallas_call(
        _relu_body, out_shape=jax.ShapeDtypeStruct(x.shape, x.dtype))(x)


def kernel(x, edge_index, W1, b1, g1, bt1, W2, b2, eps, g2, bt2):
    N, D = x.shape
    E = edge_index.shape[1]
    chunk = 120
    ew, nch_s, ech = _sc_plan(N, E, chunk)
    acc_n = _acc_rows(N)
    pad = ech * chunk - ew
    src2d = jnp.pad(edge_index[0].reshape(_NW, ew), ((0, 0), (0, pad)),
                    constant_values=0)
    scratch = acc_n - N
    dst_pad = (N + (jnp.arange(_NW, dtype=jnp.int32)[:, None] * 8
                    + jnp.arange(pad, dtype=jnp.int32)[None, :]) % scratch)
    dst2d = jnp.concatenate([edge_index[1].reshape(_NW, ew), dst_pad], axis=1)
    src1d = src2d.reshape(_NW, ech, chunk).transpose(1, 0, 2).reshape(-1)
    dst1d = dst2d.reshape(_NW, ech, chunk).transpose(1, 0, 2).reshape(-1)
    zeros = jnp.zeros((acc_n // _NS, D), jnp.float32)

    sc_agg = _make_sc_agg(N, D, E, chunk)

    h = x
    r = _relu(x)
    for l in range(L):
        agg = sc_agg(r, src1d, dst1d, zeros)
        h = _dense(h, agg, W1[l], b1[l], g1[l], bt1[l],
                   W2[l], b2[l], g2[l], bt2[l], eps[l], last=(l == L - 1))
        r = h
    return h

# --- scband reference (transcript-rebuilt; emitter-appended) ---
"""Pipeline reference for scband-gnn-node-21930103014155 (READ-ONLY COPY).

The authoritative reference and input builder live on the scoring server;
editing this copy changes nothing except your own understanding.
"""

import jax, jax.numpy as jnp
import numpy as np

L = 3
D = 128
N = 10000
E = 320000

def _batchnorm(h, g, b):
    mu = jnp.mean(h, axis=0, keepdims=True)
    var = jnp.var(h, axis=0, keepdims=True)
    return (h - mu) / jnp.sqrt(var + 1e-5) * g + b

def setup_inputs(seed: int = 0):
    key = jax.random.key(seed)
    ks = jax.random.split(key, 6)
    x = jax.random.normal(ks[0], (N, D), dtype=jnp.float32)
    edge_index = jax.random.randint(ks[1], (2, E), 0, N).astype(jnp.int32)
    s = 1.0 / np.sqrt(D)
    W1 = jax.random.normal(ks[2], (L, D, D), dtype=jnp.float32) * s
    b1 = jnp.zeros((L, D), dtype=jnp.float32)
    g1 = jnp.ones((L, D), dtype=jnp.float32)
    bt1 = jnp.zeros((L, D), dtype=jnp.float32)
    W2 = jax.random.normal(ks[3], (L, D, D), dtype=jnp.float32) * s
    b2 = jnp.zeros((L, D), dtype=jnp.float32)
    eps = jnp.zeros((L,), dtype=jnp.float32)
    g2 = jnp.ones((L, D), dtype=jnp.float32)
    bt2 = jnp.zeros((L, D), dtype=jnp.float32)
    return {"x": x, "edge_index": edge_index, "W1": W1, "b1": b1, "g1": g1, "bt1": bt1, "W2": W2, "b2": b2, "eps": eps, "g2": g2, "bt2": bt2}

def reference(x, edge_index, W1, b1, g1, bt1, W2, b2, eps, g2, bt2):
    src = edge_index[0]
    dst = edge_index[1]
    h = x
    for l in range(L):
        # GINConv: m = relu(x[src]); agg = scatter-sum over dst; mlp((1+eps)*x + agg)
        m = jax.nn.relu(h[src])
        agg = jax.ops.segment_sum(m, dst, num_segments=h.shape[0])
        z = (1.0 + eps[l]) * h + agg
        z = z @ W1[l].T + b1[l]
        z = _batchnorm(z, g1[l], bt1[l])
        z = jax.nn.relu(z)
        z = z @ W2[l].T + b2[l]
        # outer BatchNorm1d of GNN_node
        z = _batchnorm(z, g2[l], bt2[l])
        if l < L - 1:
            z = jax.nn.relu(z)
        # dropout treated as identity (eval mode)
        h = z
    return h

if __name__ == "__main__":
    import jax
    _d = setup_inputs()
    print(jax.jit(kernel)(*tuple(_d.values())))

</pallas_src>

<mosaic_0001>
#map = affine_map<(d0, d1) -> (0, 0)>
#map1 = affine_map<(d0, d1) -> (0)>
#map2 = affine_map<(d0, d1) -> (0, 0, 0)>
module attributes {stable_mosaic.version = 14 : i64} {
  func.func @sc_agg(%arg0: i32, %arg1: i32, %arg2: memref<10000x128xf32, #tpu.memory_space<hbm>>, %arg3: memref<345600xi32, #tpu.memory_space<hbm>>, %arg4: memref<345600xi32, #tpu.memory_space<hbm>>, %arg5: memref<632x128xf32, #tpu.memory_space<hbm>>, %arg6: memref<2x10112x128xf32, #tpu.memory_space<hbm>>, %arg7: memref<120xi32, #tpu.memory_space<vmem>>, %arg8: memref<120xi32, #tpu.memory_space<vmem>>, %arg9: memref<120xi32, #tpu.memory_space<vmem>>, %arg10: memref<120xi32, #tpu.memory_space<vmem>>, %arg11: memref<120xi32, #tpu.memory_space<vmem>>, %arg12: memref<120xi32, #tpu.memory_space<vmem>>, %arg13: memref<120x128xf32, #tpu.memory_space<vmem>>, %arg14: memref<120x128xf32, #tpu.memory_space<vmem>>, %arg15: memref<120x128xf32, #tpu.memory_space<vmem>>, %arg16: memref<10112x128xf32, #tpu.memory_space<vmem_shared>>, %arg17: memref<!tpu.dma_semaphore, #tpu.memory_space<semaphore_mem>>, %arg18: memref<!tpu.dma_semaphore, #tpu.memory_space<semaphore_mem>>, %arg19: memref<!tpu.dma_semaphore, #tpu.memory_space<semaphore_mem>>, %arg20: memref<!tpu.dma_semaphore, #tpu.memory_space<semaphore_mem>>, %arg21: memref<!tpu.dma_semaphore, #tpu.memory_space<semaphore_mem>>, %arg22: memref<!tpu.dma_semaphore, #tpu.memory_space<semaphore_mem>>, %arg23: memref<!tpu.dma_semaphore, #tpu.memory_space<semaphore_mem>>, %arg24: memref<!tpu.dma_semaphore, #tpu.memory_space<semaphore_mem>>, %arg25: memref<!tpu.dma_semaphore, #tpu.memory_space<semaphore_mem>>, %arg26: memref<!tpu.dma_semaphore, #tpu.memory_space<semaphore_mem>>, %arg27: memref<!tpu.dma_semaphore, #tpu.memory_space<semaphore_mem>>, %arg28: memref<!tpu.dma_semaphore, #tpu.memory_space<semaphore_mem>>) attributes {dimension_semantics = [#tpu.dimension_semantics<core_parallel>, #tpu.dimension_semantics<subcore_parallel>], iteration_bounds = array<i64: 2, 16>, scalar_prefetch = 0 : i64, scratch_operands = 22 : i64, tpu.core_type = #tpu.core_type<sc_vector_subcore>, window_params = [{transform_indices = #map}, {transform_indices = #map1}, {transform_indices = #map1}, {transform_indices = #map}, {transform_indices = #map2}]} {
    %mul3A = arith.constant 2 : i32
    %mul3A_0 = arith.muli %arg1, %mul3A : i32
    %add3A = arith.addi %mul3A_0, %arg0 : i32
    %add3A_1 = arith.constant 0 : i32
    %add3A_2 = arith.addi %add3A_1, %add3A : i32
    %mul3A_3 = arith.constant 120 : i32
    %mul3A_4 = arith.muli %add3A_2, %mul3A_3 : i32
    %dma_start3A = tpu.memref_slice %arg3[%mul3A_4] : memref<345600xi32, #tpu.memory_space<hbm>> -> memref<120xi32, #tpu.memory_space<hbm>>
    %dma_start3A_5 = tpu.memref_slice %arg3[%mul3A_4] : memref<345600xi32, #tpu.memory_space<hbm>> -> memref<120xi32, #tpu.memory_space<hbm>>
    tpu.enqueue_dma source(%dma_start3A_5 : memref<120xi32, #tpu.memory_space<hbm>>) target(%arg7 : memref<120xi32, #tpu.memory_space<vmem>>) target_semaphore(%arg23 : memref<!tpu.dma_semaphore, #tpu.memory_space<semaphore_mem>>)
    %add3A_6 = arith.constant 0 : i32
    %add3A_7 = arith.addi %add3A_6, %add3A : i32
    %mul3A_8 = arith.constant 120 : i32
    %mul3A_9 = arith.muli %add3A_7, %mul3A_8 : i32
    %dma_start3A_10 = tpu.memref_slice %arg4[%mul3A_9] : memref<345600xi32, #tpu.memory_space<hbm>> -> memref<120xi32, #tpu.memory_space<hbm>>
    %dma_start3A_11 = tpu.memref_slice %arg4[%mul3A_9] : memref<345600xi32, #tpu.memory_space<hbm>> -> memref<120xi32, #tpu.memory_space<hbm>>
    tpu.enqueue_dma source(%dma_start3A_11 : memref<120xi32, #tpu.memory_space<hbm>>) target(%arg10 : memref<120xi32, #tpu.memory_space<vmem>>) target_semaphore(%arg26 : memref<!tpu.dma_semaphore, #tpu.memory_space<semaphore_mem>>)
    %add3A_12 = arith.constant 32 : i32
    %add3A_13 = arith.addi %add3A_12, %add3A : i32
    %mul3A_14 = arith.constant 120 : i32
    %mul3A_15 = arith.muli %add3A_13, %mul3A_14 : i32
    %dma_start3A_16 = tpu.memref_slice %arg3[%mul3A_15] : memref<345600xi32, #tpu.memory_space<hbm>> -> memref<120xi32, #tpu.memory_space<hbm>>
    %dma_start3A_17 = tpu.memref_slice %arg3[%mul3A_15] : memref<345600xi32, #tpu.memory_space<hbm>> -> memref<120xi32, #tpu.memory_space<hbm>>
    tpu.enqueue_dma source(%dma_start3A_17 : memref<120xi32, #tpu.memory_space<hbm>>) target(%arg8 : memref<120xi32, #tpu.memory_space<vmem>>) target_semaphore(%arg24 : memref<!tpu.dma_semaphore, #tpu.memory_space<semaphore_mem>>)
    %add3A_18 = arith.constant 32 : i32
    %add3A_19 = arith.addi %add3A_18, %add3A : i32
    %mul3A_20 = arith.constant 120 : i32
    %mul3A_21 = arith.muli %add3A_19, %mul3A_20 : i32
    %dma_start3A_22 = tpu.memref_slice %arg4[%mul3A_21] : memref<345600xi32, #tpu.memory_space<hbm>> -> memref<120xi32, #tpu.memory_space<hbm>>
    %dma_start3A_23 = tpu.memref_slice %arg4[%mul3A_21] : memref<345600xi32, #tpu.memory_space<hbm>> -> memref<120xi32, #tpu.memory_space<hbm>>
    tpu.enqueue_dma source(%dma_start3A_23 : memref<120xi32, #tpu.memory_space<hbm>>) target(%arg11 : memref<120xi32, #tpu.memory_space<vmem>>) target_semaphore(%arg27 : memref<!tpu.dma_semaphore, #tpu.memory_space<semaphore_mem>>)
    %add3A_24 = arith.constant 64 : i32
    %add3A_25 = arith.addi %add3A_24, %add3A : i32
    %mul3A_26 = arith.constant 120 : i32
    %mul3A_27 = arith.muli %add3A_25, %mul3A_26 : i32
    %dma_start3A_28 = tpu.memref_slice %arg3[%mul3A_27] : memref<345600xi32, #tpu.memory_space<hbm>> -> memref<120xi32, #tpu.memory_space<hbm>>
    %dma_start3A_29 = tpu.memref_slice %arg3[%mul3A_27] : memref<345600xi32, #tpu.memory_space<hbm>> -> memref<120xi32, #tpu.memory_space<hbm>>
    tpu.enqueue_dma source(%dma_start3A_29 : memref<120xi32, #tpu.memory_space<hbm>>) target(%arg9 : memref<120xi32, #tpu.memory_space<vmem>>) target_semaphore(%arg25 : memref<!tpu.dma_semaphore, #tpu.memory_space<semaphore_mem>>)
    %add3A_30 = arith.constant 64 : i32
    %add3A_31 = arith.addi %add3A_30, %add3A : i32
    %mul3A_32 = arith.constant 120 : i32
    %mul3A_33 = arith.muli %add3A_31, %mul3A_32 : i32
    %dma_start3A_34 = tpu.memref_slice %arg4[%mul3A_33] : memref<345600xi32, #tpu.memory_space<hbm>> -> memref<120xi32, #tpu.memory_space<hbm>>
    %dma_start3A_35 = tpu.memref_slice %arg4[%mul3A_33] : memref<345600xi32, #tpu.memory_space<hbm>> -> memref<120xi32, #tpu.memory_space<hbm>>
    tpu.enqueue_dma source(%dma_start3A_35 : memref<120xi32, #tpu.memory_space<hbm>>) target(%arg12 : memref<120xi32, #tpu.memory_space<vmem>>) target_semaphore(%arg28 : memref<!tpu.dma_semaphore, #tpu.memory_space<semaphore_mem>>)
    %mul3A_36 = arith.constant 632 : i32
    %mul3A_37 = arith.muli %arg1, %mul3A_36 : i32
    "tpu.region"() ({
      %run_scoped3A = tpu.sem_alloc : memref<!tpu.dma_semaphore, #tpu.memory_space<semaphore_mem>>
      %dma_start3A_71 = arith.constant 0 : i32
      %dma_start3A_72 = tpu.memref_slice %arg16[%mul3A_37, %dma_start3A_71] : memref<10112x128xf32, #tpu.memory_space<vmem_shared>> -> memref<632x128xf32, #tpu.memory_space<vmem_shared>>
      tpu.enqueue_dma source(%arg5 : memref<632x128xf32, #tpu.memory_space<hbm>>) target(%dma_start3A_72 : memref<632x128xf32, #tpu.memory_space<vmem_shared>>) target_semaphore(%run_scoped3A : memref<!tpu.dma_semaphore, #tpu.memory_space<semaphore_mem>>)
      %dma_wait3A_73 = arith.constant 0 : i32
      %dma_wait3A_74 = tpu.memref_slice %arg16[%mul3A_37, %dma_wait3A_73] : memref<10112x128xf32, #tpu.memory_space<vmem_shared>> -> memref<632x128xf32, #tpu.memory_space<vmem_shared>>
      tpu.wait_dma2 semaphore(%run_scoped3A : memref<!tpu.dma_semaphore, #tpu.memory_space<semaphore_mem>>) src(%arg5 : memref<632x128xf32, #tpu.memory_space<hbm>>) dst(%dma_wait3A_74 : memref<632x128xf32, #tpu.memory_space<vmem_shared>>)
      tpu.yield
    }) : () -> ()
    %barrier3A = arith.constant 0 : index
    tpu.barrier barrier_id(%barrier3A)
    %scan3A = arith.constant 0 : i32
    %scan3A_38 = arith.constant 0 : i32
    %scan3A_39 = arith.constant 28 : i32
    %scan3A_40 = arith.addi %scan3A_38, %scan3A_39 : i32
    %scan3A_41 = arith.constant 1 : i32
    scf.for %scan3A_71 = %scan3A_38 to %scan3A_40 step %scan3A_41  : i32 {
      %mul3A_72 = arith.constant 3 : i32
      %mul3A_73 = arith.muli %mul3A_72, %scan3A_71 : i32
      %dma_wait3A_74 = arith.constant 0 : i32
      %dma_wait3A_75 = tpu.memref_slice %arg3[%dma_wait3A_74] : memref<345600xi32, #tpu.memory_space<hbm>> -> memref<120xi32, #tpu.memory_space<hbm>>
      %dma_wait3A_76 = arith.constant 0 : i32
      %dma_wait3A_77 = tpu.memref_slice %arg3[%dma_wait3A_76] : memref<345600xi32, #tpu.memory_space<hbm>> -> memref<120xi32, #tpu.memory_space<hbm>>
      tpu.wait_dma2 semaphore(%arg23 : memref<!tpu.dma_semaphore, #tpu.memory_space<semaphore_mem>>) src(%dma_wait3A_77 : memref<120xi32, #tpu.memory_space<hbm>>) dst(%arg7 : memref<120xi32, #tpu.memory_space<vmem>>)
      %dma_wait3A_78 = arith.constant 0 : i32
      %dma_wait3A_79 = tpu.memref_slice %arg3[%dma_wait3A_78] : memref<345600xi32, #tpu.memory_space<hbm>> -> memref<120xi32, #tpu.memory_space<hbm>>
      %dma_wait3A_80 = arith.constant 0 : i32
      %dma_wait3A_81 = tpu.memref_slice %arg3[%dma_wait3A_80] : memref<345600xi32, #tpu.memory_space<hbm>> -> memref<120xi32, #tpu.memory_space<hbm>>
      tpu.wait_dma2 semaphore(%arg24 : memref<!tpu.dma_semaphore, #tpu.memory_space<semaphore_mem>>) src(%dma_wait3A_81 : memref<120xi32, #tpu.memory_space<hbm>>) dst(%arg8 : memref<120xi32, #tpu.memory_space<vmem>>)
      %dma_wait3A_82 = arith.constant 0 : i32
      %dma_wait3A_83 = tpu.memref_slice %arg3[%dma_wait3A_82] : memref<345600xi32, #tpu.memory_space<hbm>> -> memref<120xi32, #tpu.memory_space<hbm>>
      %dma_wait3A_84 = arith.constant 0 : i32
      %dma_wait3A_85 = tpu.memref_slice %arg3[%dma_wait3A_84] : memref<345600xi32, #tpu.memory_space<hbm>> -> memref<120xi32, #tpu.memory_space<hbm>>
      tpu.wait_dma2 semaphore(%arg25 : memref<!tpu.dma_semaphore, #tpu.memory_space<semaphore_mem>>) src(%dma_wait3A_85 : memref<120xi32, #tpu.memory_space<hbm>>) dst(%arg9 : memref<120xi32, #tpu.memory_space<vmem>>)
      %dma_start3A_86 = arith.constant 0 : i32
      %dma_start3A_87 = arith.constant 0 : i32
      %dma_start3A_88 = tpu.memref_slice %arg2[%dma_start3A_86, %dma_start3A_87] : memref<10000x128xf32, #tpu.memory_space<hbm>> -> memref<10000x128xf32, #tpu.memory_space<hbm>>
      tpu.enqueue_indirect_dma source(%dma_start3A_88 : memref<10000x128xf32, #tpu.memory_space<hbm>>) target(%arg13 : memref<120x128xf32, #tpu.memory_space<vmem>>) offsets(%arg7 : memref<120xi32, #tpu.memory_space<vmem>>) semaphore(%arg17 : memref<!tpu.dma_semaphore, #tpu.memory_space<semaphore_mem>>)
      %dma_start3A_89 = arith.constant 0 : i32
      %dma_start3A_90 = arith.constant 0 : i32
      %dma_start3A_91 = tpu.memref_slice %arg2[%dma_start3A_89, %dma_start3A_90] : memref<10000x128xf32, #tpu.memory_space<hbm>> -> memref<10000x128xf32, #tpu.memory_space<hbm>>
      tpu.enqueue_indirect_dma source(%dma_start3A_91 : memref<10000x128xf32, #tpu.memory_space<hbm>>) target(%arg14 : memref<120x128xf32, #tpu.memory_space<vmem>>) offsets(%arg8 : memref<120xi32, #tpu.memory_space<vmem>>) semaphore(%arg18 : memref<!tpu.dma_semaphore, #tpu.memory_space<semaphore_mem>>)
      %dma_start3A_92 = arith.constant 0 : i32
      %dma_start3A_93 = arith.constant 0 : i32
      %dma_start3A_94 = tpu.memref_slice %arg2[%dma_start3A_92, %dma_start3A_93] : memref<10000x128xf32, #tpu.memory_space<hbm>> -> memref<10000x128xf32, #tpu.memory_space<hbm>>
      tpu.enqueue_indirect_dma source(%dma_start3A_94 : memref<10000x128xf32, #tpu.memory_space<hbm>>) target(%arg15 : memref<120x128xf32, #tpu.memory_space<vmem>>) offsets(%arg9 : memref<120xi32, #tpu.memory_space<vmem>>) semaphore(%arg19 : memref<!tpu.dma_semaphore, #tpu.memory_space<semaphore_mem>>)
      %dma_wait3A_95 = arith.constant 0 : i32
      %dma_wait3A_96 = tpu.memref_slice %arg4[%dma_wait3A_95] : memref<345600xi32, #tpu.memory_space<hbm>> -> memref<120xi32, #tpu.memory_space<hbm>>
      %dma_wait3A_97 = arith.constant 0 : i32
      %dma_wait3A_98 = tpu.memref_slice %arg4[%dma_wait3A_97] : memref<345600xi32, #tpu.memory_space<hbm>> -> memref<120xi32, #tpu.memory_space<hbm>>
      tpu.wait_dma2 semaphore(%arg26 : memref<!tpu.dma_semaphore, #tpu.memory_space<semaphore_mem>>) src(%dma_wait3A_98 : memref<120xi32, #tpu.memory_space<hbm>>) dst(%arg10 : memref<120xi32, #tpu.memory_space<vmem>>)
      %dma_wait3A_99 = arith.constant 0 : i32
      %dma_wait3A_100 = arith.constant 0 : i32
      %dma_wait3A_101 = tpu.memref_slice %arg2[%dma_wait3A_99, %dma_wait3A_100] : memref<10000x128xf32, #tpu.memory_space<hbm>> -> memref<10000x128xf32, #tpu.memory_space<hbm>>
      tpu.wait_indirect_dma semaphore(%arg17 : memref<!tpu.dma_semaphore, #tpu.memory_space<semaphore_mem>>) src(%dma_wait3A_101 : memref<10000x128xf32, #tpu.memory_space<hbm>>) dst(%arg13 : memref<120x128xf32, #tpu.memory_space<vmem>>)
      %dma_wait3A_102 = arith.constant 0 : i32
      %dma_wait3A_103 = tpu.memref_slice %arg4[%dma_wait3A_102] : memref<345600xi32, #tpu.memory_space<hbm>> -> memref<120xi32, #tpu.memory_space<hbm>>
      %dma_wait3A_104 = arith.constant 0 : i32
      %dma_wait3A_105 = tpu.memref_slice %arg4[%dma_wait3A_104] : memref<345600xi32, #tpu.memory_space<hbm>> -> memref<120xi32, #tpu.memory_space<hbm>>
      tpu.wait_dma2 semaphore(%arg27 : memref<!tpu.dma_semaphore, #tpu.memory_space<semaphore_mem>>) src(%dma_wait3A_105 : memref<120xi32, #tpu.memory_space<hbm>>) dst(%arg11 : memref<120xi32, #tpu.memory_space<vmem>>)
      %dma_wait3A_106 = arith.constant 0 : i32
      %dma_wait3A_107 = arith.constant 0 : i32
      %dma_wait3A_108 = tpu.memref_slice %arg2[%dma_wait3A_106, %dma_wait3A_107] : memref<10000x128xf32, #tpu.memory_space<hbm>> -> memref<10000x128xf32, #tpu.memory_space<hbm>>
      tpu.wait_indirect_dma semaphore(%arg18 : memref<!tpu.dma_semaphore, #tpu.memory_space<semaphore_mem>>) src(%dma_wait3A_108 : memref<10000x128xf32, #tpu.memory_space<hbm>>) dst(%arg14 : memref<120x128xf32, #tpu.memory_space<vmem>>)
      %dma_wait3A_109 = arith.constant 0 : i32
      %dma_wait3A_110 = tpu.memref_slice %arg4[%dma_wait3A_109] : memref<345600xi32, #tpu.memory_space<hbm>> -> memref<120xi32, #tpu.memory_space<hbm>>
      %dma_wait3A_111 = arith.constant 0 : i32
      %dma_wait3A_112 = tpu.memref_slice %arg4[%dma_wait3A_111] : memref<345600xi32, #tpu.memory_space<hbm>> -> memref<120xi32, #tpu.memory_space<hbm>>
      tpu.wait_dma2 semaphore(%arg28 : memref<!tpu.dma_semaphore, #tpu.memory_space<semaphore_mem>>) src(%dma_wait3A_112 : memref<120xi32, #tpu.memory_space<hbm>>) dst(%arg12 : memref<120xi32, #tpu.memory_space<vmem>>)
      %dma_wait3A_113 = arith.constant 0 : i32
      %dma_wait3A_114 = arith.constant 0 : i32
      %dma_wait3A_115 = tpu.memref_slice %arg2[%dma_wait3A_113, %dma_wait3A_114] : memref<10000x128xf32, #tpu.memory_space<hbm>> -> memref<10000x128xf32, #tpu.memory_space<hbm>>
      tpu.wait_indirect_dma semaphore(%arg19 : memref<!tpu.dma_semaphore, #tpu.memory_space<semaphore_mem>>) src(%dma_wait3A_115 : memref<10000x128xf32, #tpu.memory_space<hbm>>) dst(%arg15 : memref<120x128xf32, #tpu.memory_space<vmem>>)
      %dma_start3A_116 = arith.constant 0 : i32
      %dma_start3A_117 = arith.constant 0 : i32
      %dma_start3A_118 = tpu.memref_slice %arg16[%dma_start3A_116, %dma_start3A_117] : memref<10112x128xf32, #tpu.memory_space<vmem_shared>> -> memref<10112x128xf32, #tpu.memory_space<vmem_shared>>
      tpu.enqueue_indirect_dma source(%arg13 : memref<120x128xf32, #tpu.memory_space<vmem>>) target(%dma_start3A_118 : memref<10112x128xf32, #tpu.memory_space<vmem_shared>>) offsets(%arg10 : memref<120xi32, #tpu.memory_space<vmem>>) semaphore(%arg20 : memref<!tpu.dma_semaphore, #tpu.memory_space<semaphore_mem>>) {add = true}
      %dma_start3A_119 = arith.constant 0 : i32
      %dma_start3A_120 = arith.constant 0 : i32
      %dma_start3A_121 = tpu.memref_slice %arg16[%dma_start3A_119, %dma_start3A_120] : memref<10112x128xf32, #tpu.memory_space<vmem_shared>> -> memref<10112x128xf32, #tpu.memory_space<vmem_shared>>
      tpu.enqueue_indirect_dma source(%arg14 : memref<120x128xf32, #tpu.memory_space<vmem>>) target(%dma_start3A_121 : memref<10112x128xf32, #tpu.memory_space<vmem_shared>>) offsets(%arg11 : memref<120xi32, #tpu.memory_space<vmem>>) semaphore(%arg21 : memref<!tpu.dma_semaphore, #tpu.memory_space<semaphore_mem>>) {add = true}
      %dma_start3A_122 = arith.constant 0 : i32
      %dma_start3A_123 = arith.constant 0 : i32
      %dma_start3A_124 = tpu.memref_slice %arg16[%dma_start3A_122, %dma_start3A_123] : memref<10112x128xf32, #tpu.memory_space<vmem_shared>> -> memref<10112x128xf32, #tpu.memory_space<vmem_shared>>
      tpu.enqueue_indirect_dma source(%arg15 : memref<120x128xf32, #tpu.memory_space<vmem>>) target(%dma_start3A_124 : memref<10112x128xf32, #tpu.memory_space<vmem_shared>>) offsets(%arg12 : memref<120xi32, #tpu.memory_space<vmem>>) semaphore(%arg22 : memref<!tpu.dma_semaphore, #tpu.memory_space<semaphore_mem>>) {add = true}
      %dma_wait3A_125 = arith.constant 0 : i32
      %dma_wait3A_126 = arith.constant 0 : i32
      %dma_wait3A_127 = tpu.memref_slice %arg16[%dma_wait3A_125, %dma_wait3A_126] : memref<10112x128xf32, #tpu.memory_space<vmem_shared>> -> memref<10112x128xf32, #tpu.memory_space<vmem_shared>>
      tpu.wait_indirect_dma semaphore(%arg20 : memref<!tpu.dma_semaphore, #tpu.memory_space<semaphore_mem>>) src(%arg13 : memref<120x128xf32, #tpu.memory_space<vmem>>) dst(%dma_wait3A_127 : memref<10112x128xf32, #tpu.memory_space<vmem_shared>>)
      %add3A_128 = arith.constant 3 : i32
      %add3A_129 = arith.addi %mul3A_73, %add3A_128 : i32
      %add3A_130 = arith.constant 0 : i32
      %add3A_131 = arith.addi %add3A_129, %add3A_130 : i32
      %mul3A_132 = arith.constant 32 : i32
      %mul3A_133 = arith.muli %add3A_131, %mul3A_132 : i32
      %add3A_134 = arith.addi %mul3A_133, %add3A : i32
      %mul3A_135 = arith.constant 120 : i32
      %mul3A_136 = arith.muli %add3A_134, %mul3A_135 : i32
      %dma_start3A_137 = tpu.memref_slice %arg3[%mul3A_136] : memref<345600xi32, #tpu.memory_space<hbm>> -> memref<120xi32, #tpu.memory_space<hbm>>
      %dma_start3A_138 = tpu.memref_slice %arg3[%mul3A_136] : memref<345600xi32, #tpu.memory_space<hbm>> -> memref<120xi32, #tpu.memory_space<hbm>>
      tpu.enqueue_dma source(%dma_start3A_138 : memref<120xi32, #tpu.memory_space<hbm>>) target(%arg7 : memref<120xi32, #tpu.memory_space<vmem>>) target_semaphore(%arg23 : memref<!tpu.dma_semaphore, #tpu.memory_space<semaphore_mem>>)
      %mul3A_139 = arith.constant 32 : i32
      %mul3A_140 = arith.muli %add3A_131, %mul3A_139 : i32
      %add3A_141 = arith.addi %mul3A_140, %add3A : i32
      %mul3A_142 = arith.constant 120 : i32
      %mul3A_143 = arith.muli %add3A_141, %mul3A_142 : i32
      %dma_start3A_144 = tpu.memref_slice %arg4[%mul3A_143] : memref<345600xi32, #tpu.memory_space<hbm>> -> memref<120xi32, #tpu.memory_space<hbm>>
      %dma_start3A_145 = tpu.memref_slice %arg4[%mul3A_143] : memref<345600xi32, #tpu.memory_space<hbm>> -> memref<120xi32, #tpu.memory_space<hbm>>
      tpu.enqueue_dma source(%dma_start3A_145 : memref<120xi32, #tpu.memory_space<hbm>>) target(%arg10 : memref<120xi32, #tpu.memory_space<vmem>>) target_semaphore(%arg26 : memref<!tpu.dma_semaphore, #tpu.memory_space<semaphore_mem>>)
      %dma_wait3A_146 = arith.constant 0 : i32
      %dma_wait3A_147 = arith.constant 0 : i32
      %dma_wait3A_148 = tpu.memref_slice %arg16[%dma_wait3A_146, %dma_wait3A_147] : memref<10112x128xf32, #tpu.memory_space<vmem_shared>> -> memref<10112x128xf32, #tpu.memory_space<vmem_shared>>
      tpu.wait_indirect_dma semaphore(%arg21 : memref<!tpu.dma_semaphore, #tpu.memory_space<semaphore_mem>>) src(%arg14 : memref<120x128xf32, #tpu.memory_space<vmem>>) dst(%dma_wait3A_148 : memref<10112x128xf32, #tpu.memory_space<vmem_shared>>)
      %add3A_149 = arith.constant 3 : i32
      %add3A_150 = arith.addi %mul3A_73, %add3A_149 : i32
      %add3A_151 = arith.constant 1 : i32
      %add3A_152 = arith.addi %add3A_150, %add3A_151 : i32
      %mul3A_153 = arith.constant 32 : i32
      %mul3A_154 = arith.muli %add3A_152, %mul3A_153 : i32
      %add3A_155 = arith.addi %mul3A_154, %add3A : i32
      %mul3A_156 = arith.constant 120 : i32
      %mul3A_157 = arith.muli %add3A_155, %mul3A_156 : i32
      %dma_start3A_158 = tpu.memref_slice %arg3[%mul3A_157] : memref<345600xi32, #tpu.memory_space<hbm>> -> memref<120xi32, #tpu.memory_space<hbm>>
      %dma_start3A_159 = tpu.memref_slice %arg3[%mul3A_157] : memref<345600xi32, #tpu.memory_space<hbm>> -> memref<120xi32, #tpu.memory_space<hbm>>
      tpu.enqueue_dma source(%dma_start3A_159 : memref<120xi32, #tpu.memory_space<hbm>>) target(%arg8 : memref<120xi32, #tpu.memory_space<vmem>>) target_semaphore(%arg24 : memref<!tpu.dma_semaphore, #tpu.memory_space<semaphore_mem>>)
      %mul3A_160 = arith.constant 32 : i32
      %mul3A_161 = arith.muli %add3A_152, %mul3A_160 : i32
      %add3A_162 = arith.addi %mul3A_161, %add3A : i32
      %mul3A_163 = arith.constant 120 : i32
      %mul3A_164 = arith.muli %add3A_162, %mul3A_163 : i32
      %dma_start3A_165 = tpu.memref_slice %arg4[%mul3A_164] : memref<345600xi32, #tpu.memory_space<hbm>> -> memref<120xi32, #tpu.memory_space<hbm>>
      %dma_start3A_166 = tpu.memref_slice %arg4[%mul3A_164] : memref<345600xi32, #tpu.memory_space<hbm>> -> memref<120xi32, #tpu.memory_space<hbm>>
      tpu.enqueue_dma source(%dma_start3A_166 : memref<120xi32, #tpu.memory_space<hbm>>) target(%arg11 : memref<120xi32, #tpu.memory_space<vmem>>) target_semaphore(%arg27 : memref<!tpu.dma_semaphore, #tpu.memory_space<semaphore_mem>>)
      %dma_wait3A_167 = arith.constant 0 : i32
      %dma_wait3A_168 = arith.constant 0 : i32
      %dma_wait3A_169 = tpu.memref_slice %arg16[%dma_wait3A_167, %dma_wait3A_168] : memref<10112x128xf32, #tpu.memory_space<vmem_shared>> -> memref<10112x128xf32, #tpu.memory_space<vmem_shared>>
      tpu.wait_indirect_dma semaphore(%arg22 : memref<!tpu.dma_semaphore, #tpu.memory_space<semaphore_mem>>) src(%arg15 : memref<120x128xf32, #tpu.memory_space<vmem>>) dst(%dma_wait3A_169 : memref<10112x128xf32, #tpu.memory_space<vmem_shared>>)
      %add3A_170 = arith.constant 3 : i32
      %add3A_171 = arith.addi %mul3A_73, %add3A_170 : i32
      %add3A_172 = arith.constant 2 : i32
      %add3A_173 = arith.addi %add3A_171, %add3A_172 : i32
      %mul3A_174 = arith.constant 32 : i32
      %mul3A_175 = arith.muli %add3A_173, %mul3A_174 : i32
      %add3A_176 = arith.addi %mul3A_175, %add3A : i32
      %mul3A_177 = arith.constant 120 : i32
      %mul3A_178 = arith.muli %add3A_176, %mul3A_177 : i32
      %dma_start3A_179 = tpu.memref_slice %arg3[%mul3A_178] : memref<345600xi32, #tpu.memory_space<hbm>> -> memref<120xi32, #tpu.memory_space<hbm>>
      %dma_start3A_180 = tpu.memref_slice %arg3[%mul3A_178] : memref<345600xi32, #tpu.memory_space<hbm>> -> memref<120xi32, #tpu.memory_space<hbm>>
      tpu.enqueue_dma source(%dma_start3A_180 : memref<120xi32, #tpu.memory_space<hbm>>) target(%arg9 : memref<120xi32, #tpu.memory_space<vmem>>) target_semaphore(%arg25 : memref<!tpu.dma_semaphore, #tpu.memory_space<semaphore_mem>>)
      %mul3A_181 = arith.constant 32 : i32
      %mul3A_182 = arith.muli %add3A_173, %mul3A_181 : i32
      %add3A_183 = arith.addi %mul3A_182, %add3A : i32
      %mul3A_184 = arith.constant 120 : i32
      %mul3A_185 = arith.muli %add3A_183, %mul3A_184 : i32
      %dma_start3A_186 = tpu.memref_slice %arg4[%mul3A_185] : memref<345600xi32, #tpu.memory_space<hbm>> -> memref<120xi32, #tpu.memory_space<hbm>>
      %dma_start3A_187 = tpu.memref_slice %arg4[%mul3A_185] : memref<345600xi32, #tpu.memory_space<hbm>> -> memref<120xi32, #tpu.memory_space<hbm>>
      tpu.enqueue_dma source(%dma_start3A_187 : memref<120xi32, #tpu.memory_space<hbm>>) target(%arg12 : memref<120xi32, #tpu.memory_space<vmem>>) target_semaphore(%arg28 : memref<!tpu.dma_semaphore, #tpu.memory_space<semaphore_mem>>)
    }
    %scan3A_42 = arith.constant 28 : i32
    %dma_wait3A = arith.constant 0 : i32
    %dma_wait3A_43 = tpu.memref_slice %arg3[%dma_wait3A] : memref<345600xi32, #tpu.memory_space<hbm>> -> memref<120xi32, #tpu.memory_space<hbm>>
    %dma_wait3A_44 = arith.constant 0 : i32
    %dma_wait3A_45 = tpu.memref_slice %arg3[%dma_wait3A_44] : memref<345600xi32, #tpu.memory_space<hbm>> -> memref<120xi32, #tpu.memory_space<hbm>>
    tpu.wait_dma2 semaphore(%arg23 : memref<!tpu.dma_semaphore, #tpu.memory_space<semaphore_mem>>) src(%dma_wait3A_45 : memref<120xi32, #tpu.memory_space<hbm>>) dst(%arg7 : memref<120xi32, #tpu.memory_space<vmem>>)
    %dma_wait3A_46 = arith.constant 0 : i32
    %dma_wait3A_47 = tpu.memref_slice %arg4[%dma_wait3A_46] : memref<345600xi32, #tpu.memory_space<hbm>> -> memref<120xi32, #tpu.memory_space<hbm>>
    %dma_wait3A_48 = arith.constant 0 : i32
    %dma_wait3A_49 = tpu.memref_slice %arg4[%dma_wait3A_48] : memref<345600xi32, #tpu.memory_space<hbm>> -> memref<120xi32, #tpu.memory_space<hbm>>
    tpu.wait_dma2 semaphore(%arg26 : memref<!tpu.dma_semaphore, #tpu.memory_space<semaphore_mem>>) src(%dma_wait3A_49 : memref<120xi32, #tpu.memory_space<hbm>>) dst(%arg10 : memref<120xi32, #tpu.memory_space<vmem>>)
    %dma_wait3A_50 = arith.constant 0 : i32
    %dma_wait3A_51 = tpu.memref_slice %arg3[%dma_wait3A_50] : memref<345600xi32, #tpu.memory_space<hbm>> -> memref<120xi32, #tpu.memory_space<hbm>>
    %dma_wait3A_52 = arith.constant 0 : i32
    %dma_wait3A_53 = tpu.memref_slice %arg3[%dma_wait3A_52] : memref<345600xi32, #tpu.memory_space<hbm>> -> memref<120xi32, #tpu.memory_space<hbm>>
    tpu.wait_dma2 semaphore(%arg24 : memref<!tpu.dma_semaphore, #tpu.memory_space<semaphore_mem>>) src(%dma_wait3A_53 : memref<120xi32, #tpu.memory_space<hbm>>) dst(%arg8 : memref<120xi32, #tpu.memory_space<vmem>>)
    %dma_wait3A_54 = arith.constant 0 : i32
    %dma_wait3A_55 = tpu.memref_slice %arg4[%dma_wait3A_54] : memref<345600xi32, #tpu.memory_space<hbm>> -> memref<120xi32, #tpu.memory_space<hbm>>
    %dma_wait3A_56 = arith.constant 0 : i32
    %dma_wait3A_57 = tpu.memref_slice %arg4[%dma_wait3A_56] : memref<345600xi32, #tpu.memory_space<hbm>> -> memref<120xi32, #tpu.memory_space<hbm>>
    tpu.wait_dma2 semaphore(%arg27 : memref<!tpu.dma_semaphore, #tpu.memory_space<semaphore_mem>>) src(%dma_wait3A_57 : memref<120xi32, #tpu.memory_space<hbm>>) dst(%arg11 : memref<120xi32, #tpu.memory_space<vmem>>)
    %dma_wait3A_58 = arith.constant 0 : i32
    %dma_wait3A_59 = tpu.memref_slice %arg3[%dma_wait3A_58] : memref<345600xi32, #tpu.memory_space<hbm>> -> memref<120xi32, #tpu.memory_space<hbm>>
    %dma_wait3A_60 = arith.constant 0 : i32
    %dma_wait3A_61 = tpu.memref_slice %arg3[%dma_wait3A_60] : memref<345600xi32, #tpu.memory_space<hbm>> -> memref<120xi32, #tpu.memory_space<hbm>>
    tpu.wait_dma2 semaphore(%arg25 : memref<!tpu.dma_semaphore, #tpu.memory_space<semaphore_mem>>) src(%dma_wait3A_61 : memref<120xi32, #tpu.memory_space<hbm>>) dst(%arg9 : memref<120xi32, #tpu.memory_space<vmem>>)
    %dma_wait3A_62 = arith.constant 0 : i32
    %dma_wait3A_63 = tpu.memref_slice %arg4[%dma_wait3A_62] : memref<345600xi32, #tpu.memory_space<hbm>> -> memref<120xi32, #tpu.memory_space<hbm>>
    %dma_wait3A_64 = arith.constant 0 : i32
    %dma_wait3A_65 = tpu.memref_slice %arg4[%dma_wait3A_64] : memref<345600xi32, #tpu.memory_space<hbm>> -> memref<120xi32, #tpu.memory_space<hbm>>
    tpu.wait_dma2 semaphore(%arg28 : memref<!tpu.dma_semaphore, #tpu.memory_space<semaphore_mem>>) src(%dma_wait3A_65 : memref<120xi32, #tpu.memory_space<hbm>>) dst(%arg12 : memref<120xi32, #tpu.memory_space<vmem>>)
    %barrier3A_66 = arith.constant 0 : index
    tpu.barrier barrier_id(%barrier3A_66)
    %mul3A_67 = arith.constant 632 : i32
    %mul3A_68 = arith.muli %arg1, %mul3A_67 : i32
    %mul3A_69 = arith.constant 632 : i32
    %mul3A_70 = arith.muli %arg1, %mul3A_69 : i32
    "tpu.region"() ({
      %run_scoped3A = tpu.sem_alloc : memref<!tpu.dma_semaphore, #tpu.memory_space<semaphore_mem>>
      %dma_start3A_71 = arith.constant 0 : i32
      %dma_start3A_72 = tpu.memref_slice %arg6[%arg0, %mul3A_70, %dma_start3A_71] : memref<2x10112x128xf32, #tpu.memory_space<hbm>> -> memref<1x632x128xf32, #tpu.memory_space<hbm>>
      %dma_start3A_73 = tpu.memref_squeeze %dma_start3A_72 : memref<1x632x128xf32, #tpu.memory_space<hbm>> -> memref<632x128xf32, #tpu.memory_space<hbm>>
      %dma_start3A_74 = arith.constant 0 : i32
      %dma_start3A_75 = tpu.memref_slice %arg16[%mul3A_68, %dma_start3A_74] : memref<10112x128xf32, #tpu.memory_space<vmem_shared>> -> memref<632x128xf32, #tpu.memory_space<vmem_shared>>
      tpu.enqueue_dma source(%dma_start3A_75 : memref<632x128xf32, #tpu.memory_space<vmem_shared>>) target(%dma_start3A_73 : memref<632x128xf32, #tpu.memory_space<hbm>>) target_semaphore(%run_scoped3A : memref<!tpu.dma_semaphore, #tpu.memory_space<semaphore_mem>>)
      %dma_wait3A_76 = arith.constant 0 : i32
      %dma_wait3A_77 = tpu.memref_slice %arg6[%arg0, %mul3A_70, %dma_wait3A_76] : memref<2x10112x128xf32, #tpu.memory_space<hbm>> -> memref<1x632x128xf32, #tpu.memory_space<hbm>>
      %dma_wait3A_78 = tpu.memref_squeeze %dma_wait3A_77 : memref<1x632x128xf32, #tpu.memory_space<hbm>> -> memref<632x128xf32, #tpu.memory_space<hbm>>
      %dma_wait3A_79 = arith.constant 0 : i32
      %dma_wait3A_80 = tpu.memref_slice %arg16[%mul3A_68, %dma_wait3A_79] : memref<10112x128xf32, #tpu.memory_space<vmem_shared>> -> memref<632x128xf32, #tpu.memory_space<vmem_shared>>
      tpu.wait_dma2 semaphore(%run_scoped3A : memref<!tpu.dma_semaphore, #tpu.memory_space<semaphore_mem>>) src(%dma_wait3A_80 : memref<632x128xf32, #tpu.memory_space<vmem_shared>>) dst(%dma_wait3A_78 : memref<632x128xf32, #tpu.memory_space<hbm>>)
      tpu.yield
    }) : () -> ()
    return
  }
}

#map = affine_map<(d0, d1) -> (0, 0)>
#map1 = affine_map<(d0, d1) -> (0)>
#map2 = affine_map<(d0, d1) -> (0, 0, 0)>
module attributes {stable_mosaic.version = 14 : i64} {
  func.func @sc_agg(%arg0: i32, %arg1: i32, %arg2: memref<10000x128xf32, #tpu.memory_space<hbm>>, %arg3: memref<345600xi32, #tpu.memory_space<hbm>>, %arg4: memref<345600xi32, #tpu.memory_space<hbm>>, %arg5: memref<632x128xf32, #tpu.memory_space<hbm>>, %arg6: memref<2x10112x128xf32, #tpu.memory_space<hbm>>, %arg7: memref<120xi32, #tpu.memory_space<vmem>>, %arg8: memref<120xi32, #tpu.memory_space<vmem>>, %arg9: memref<120xi32, #tpu.memory_space<vmem>>, %arg10: memref<120xi32, #tpu.memory_space<vmem>>, %arg11: memref<120xi32, #tpu.memory_space<vmem>>, %arg12: memref<120xi32, #tpu.memory_space<vmem>>, %arg13: memref<120x128xf32, #tpu.memory_space<vmem>>, %arg14: memref<120x128xf32, #tpu.memory_space<vmem>>, %arg15: memref<120x128xf32, #tpu.memory_space<vmem>>, %arg16: memref<10112x128xf32, #tpu.memory_space<vmem_shared>>, %arg17: memref<!tpu.dma_semaphore, #tpu.memory_space<semaphore_mem>>, %arg18: memref<!tpu.dma_semaphore, #tpu.memory_space<semaphore_mem>>, %arg19: memref<!tpu.dma_semaphore, #tpu.memory_space<semaphore_mem>>, %arg20: memref<!tpu.dma_semaphore, #tpu.memory_space<semaphore_mem>>, %arg21: memref<!tpu.dma_semaphore, #tpu.memory_space<semaphore_mem>>, %arg22: memref<!tpu.dma_semaphore, #tpu.memory_space<semaphore_mem>>, %arg23: memref<!tpu.dma_semaphore, #tpu.memory_space<semaphore_mem>>, %arg24: memref<!tpu.dma_semaphore, #tpu.memory_space<semaphore_mem>>, %arg25: memref<!tpu.dma_semaphore, #tpu.memory_space<semaphore_mem>>, %arg26: memref<!tpu.dma_semaphore, #tpu.memory_space<semaphore_mem>>, %arg27: memref<!tpu.dma_semaphore, #tpu.memory_space<semaphore_mem>>, %arg28: memref<!tpu.dma_semaphore, #tpu.memory_space<semaphore_mem>>) attributes {dimension_semantics = [#tpu.dimension_semantics<core_parallel>, #tpu.dimension_semantics<subcore_parallel>], iteration_bounds = array<i64: 2, 16>, scalar_prefetch = 0 : i64, scratch_operands = 22 : i64, tpu.core_type = #tpu.core_type<sc_vector_subcore>, window_params = [{transform_indices = #map}, {transform_indices = #map1}, {transform_indices = #map1}, {transform_indices = #map}, {transform_indices = #map2}]} {
    %mul3A = arith.constant 2 : i32
    %mul3A_0 = arith.muli %arg1, %mul3A : i32
    %add3A = arith.addi %mul3A_0, %arg0 : i32
    %add3A_1 = arith.constant 0 : i32
    %add3A_2 = arith.addi %add3A_1, %add3A : i32
    %mul3A_3 = arith.constant 120 : i32
    %mul3A_4 = arith.muli %add3A_2, %mul3A_3 : i32
    %dma_start3A = tpu.memref_slice %arg3[%mul3A_4] : memref<345600xi32, #tpu.memory_space<hbm>> -> memref<120xi32, #tpu.memory_space<hbm>>
    %dma_start3A_5 = tpu.memref_slice %arg3[%mul3A_4] : memref<345600xi32, #tpu.memory_space<hbm>> -> memref<120xi32, #tpu.memory_space<hbm>>
    tpu.enqueue_dma source(%dma_start3A_5 : memref<120xi32, #tpu.memory_space<hbm>>) target(%arg7 : memref<120xi32, #tpu.memory_space<vmem>>) target_semaphore(%arg23 : memref<!tpu.dma_semaphore, #tpu.memory_space<semaphore_mem>>)
    %add3A_6 = arith.constant 0 : i32
    %add3A_7 = arith.addi %add3A_6, %add3A : i32
    %mul3A_8 = arith.constant 120 : i32
    %mul3A_9 = arith.muli %add3A_7, %mul3A_8 : i32
    %dma_start3A_10 = tpu.memref_slice %arg4[%mul3A_9] : memref<345600xi32, #tpu.memory_space<hbm>> -> memref<120xi32, #tpu.memory_space<hbm>>
    %dma_start3A_11 = tpu.memref_slice %arg4[%mul3A_9] : memref<345600xi32, #tpu.memory_space<hbm>> -> memref<120xi32, #tpu.memory_space<hbm>>
    tpu.enqueue_dma source(%dma_start3A_11 : memref<120xi32, #tpu.memory_space<hbm>>) target(%arg10 : memref<120xi32, #tpu.memory_space<vmem>>) target_semaphore(%arg26 : memref<!tpu.dma_semaphore, #tpu.memory_space<semaphore_mem>>)
    %add3A_12 = arith.constant 32 : i32
    %add3A_13 = arith.addi %add3A_12, %add3A : i32
    %mul3A_14 = arith.constant 120 : i32
    %mul3A_15 = arith.muli %add3A_13, %mul3A_14 : i32
    %dma_start3A_16 = tpu.memref_slice %arg3[%mul3A_15] : memref<345600xi32, #tpu.memory_space<hbm>> -> memref<120xi32, #tpu.memory_space<hbm>>
    %dma_start3A_17 = tpu.memref_slice %arg3[%mul3A_15] : memref<345600xi32, #tpu.memory_space<hbm>> -> memref<120xi32, #tpu.memory_space<hbm>>
    tpu.enqueue_dma source(%dma_start3A_17 : memref<120xi32, #tpu.memory_space<hbm>>) target(%arg8 : memref<120xi32, #tpu.memory_space<vmem>>) target_semaphore(%arg24 : memref<!tpu.dma_semaphore, #tpu.memory_space<semaphore_mem>>)
    %add3A_18 = arith.constant 32 : i32
    %add3A_19 = arith.addi %add3A_18, %add3A : i32
    %mul3A_20 = arith.constant 120 : i32
    %mul3A_21 = arith.muli %add3A_19, %mul3A_20 : i32
    %dma_start3A_22 = tpu.memref_slice %arg4[%mul3A_21] : memref<345600xi32, #tpu.memory_space<hbm>> -> memref<120xi32, #tpu.memory_space<hbm>>
    %dma_start3A_23 = tpu.memref_slice %arg4[%mul3A_21] : memref<345600xi32, #tpu.memory_space<hbm>> -> memref<120xi32, #tpu.memory_space<hbm>>
    tpu.enqueue_dma source(%dma_start3A_23 : memref<120xi32, #tpu.memory_space<hbm>>) target(%arg11 : memref<120xi32, #tpu.memory_space<vmem>>) target_semaphore(%arg27 : memref<!tpu.dma_semaphore, #tpu.memory_space<semaphore_mem>>)
    %add3A_24 = arith.constant 64 : i32
    %add3A_25 = arith.addi %add3A_24, %add3A : i32
    %mul3A_26 = arith.constant 120 : i32
    %mul3A_27 = arith.muli %add3A_25, %mul3A_26 : i32
    %dma_start3A_28 = tpu.memref_slice %arg3[%mul3A_27] : memref<345600xi32, #tpu.memory_space<hbm>> -> memref<120xi32, #tpu.memory_space<hbm>>
    %dma_start3A_29 = tpu.memref_slice %arg3[%mul3A_27] : memref<345600xi32, #tpu.memory_space<hbm>> -> memref<120xi32, #tpu.memory_space<hbm>>
    tpu.enqueue_dma source(%dma_start3A_29 : memref<120xi32, #tpu.memory_space<hbm>>) target(%arg9 : memref<120xi32, #tpu.memory_space<vmem>>) target_semaphore(%arg25 : memref<!tpu.dma_semaphore, #tpu.memory_space<semaphore_mem>>)
    %add3A_30 = arith.constant 64 : i32
    %add3A_31 = arith.addi %add3A_30, %add3A : i32
    %mul3A_32 = arith.constant 120 : i32
    %mul3A_33 = arith.muli %add3A_31, %mul3A_32 : i32
    %dma_start3A_34 = tpu.memref_slice %arg4[%mul3A_33] : memref<345600xi32, #tpu.memory_space<hbm>> -> memref<120xi32, #tpu.memory_space<hbm>>
    %dma_start3A_35 = tpu.memref_slice %arg4[%mul3A_33] : memref<345600xi32, #tpu.memory_space<hbm>> -> memref<120xi32, #tpu.memory_space<hbm>>
    tpu.enqueue_dma source(%dma_start3A_35 : memref<120xi32, #tpu.memory_space<hbm>>) target(%arg12 : memref<120xi32, #tpu.memory_space<vmem>>) target_semaphore(%arg28 : memref<!tpu.dma_semaphore, #tpu.memory_space<semaphore_mem>>)
    %mul3A_36 = arith.constant 632 : i32
    %mul3A_37 = arith.muli %arg1, %mul3A_36 : i32
    "tpu.region"() ({
      %run_scoped3A = tpu.sem_alloc : memref<!tpu.dma_semaphore, #tpu.memory_space<semaphore_mem>>
      %dma_start3A_71 = arith.constant 0 : i32
      %dma_start3A_72 = tpu.memref_slice %arg16[%mul3A_37, %dma_start3A_71] : memref<10112x128xf32, #tpu.memory_space<vmem_shared>> -> memref<632x128xf32, #tpu.memory_space<vmem_shared>>
      tpu.enqueue_dma source(%arg5 : memref<632x128xf32, #tpu.memory_space<hbm>>) target(%dma_start3A_72 : memref<632x128xf32, #tpu.memory_space<vmem_shared>>) target_semaphore(%run_scoped3A : memref<!tpu.dma_semaphore, #tpu.memory_space<semaphore_mem>>)
      %dma_wait3A_73 = arith.constant 0 : i32
      %dma_wait3A_74 = tpu.memref_slice %arg16[%mul3A_37, %dma_wait3A_73] : memref<10112x128xf32, #tpu.memory_space<vmem_shared>> -> memref<632x128xf32, #tpu.memory_space<vmem_shared>>
      tpu.wait_dma2 semaphore(%run_scoped3A : memref<!tpu.dma_semaphore, #tpu.memory_space<semaphore_mem>>) src(%arg5 : memref<632x128xf32, #tpu.memory_space<hbm>>) dst(%dma_wait3A_74 : memref<632x128xf32, #tpu.memory_space<vmem_shared>>)
      tpu.yield
    }) : () -> ()
    %barrier3A = arith.constant 0 : index
    tpu.barrier barrier_id(%barrier3A)
    %scan3A = arith.constant 0 : i32
    %scan3A_38 = arith.constant 0 : i32
    %scan3A_39 = arith.constant 28 : i32
    %scan3A_40 = arith.addi %scan3A_38, %scan3A_39 : i32
    %scan3A_41 = arith.constant 1 : i32
    scf.for %scan3A_71 = %scan3A_38 to %scan3A_40 step %scan3A_41  : i32 {
      %mul3A_72 = arith.constant 3 : i32
      %mul3A_73 = arith.muli %mul3A_72, %scan3A_71 : i32
      %dma_wait3A_74 = arith.constant 0 : i32
      %dma_wait3A_75 = tpu.memref_slice %arg3[%dma_wait3A_74] : memref<345600xi32, #tpu.memory_space<hbm>> -> memref<120xi32, #tpu.memory_space<hbm>>
      %dma_wait3A_76 = arith.constant 0 : i32
      %dma_wait3A_77 = tpu.memref_slice %arg3[%dma_wait3A_76] : memref<345600xi32, #tpu.memory_space<hbm>> -> memref<120xi32, #tpu.memory_space<hbm>>
      tpu.wait_dma2 semaphore(%arg23 : memref<!tpu.dma_semaphore, #tpu.memory_space<semaphore_mem>>) src(%dma_wait3A_77 : memref<120xi32, #tpu.memory_space<hbm>>) dst(%arg7 : memref<120xi32, #tpu.memory_space<vmem>>)
      %dma_wait3A_78 = arith.constant 0 : i32
      %dma_wait3A_79 = tpu.memref_slice %arg3[%dma_wait3A_78] : memref<345600xi32, #tpu.memory_space<hbm>> -> memref<120xi32, #tpu.memory_space<hbm>>
      %dma_wait3A_80 = arith.constant 0 : i32
      %dma_wait3A_81 = tpu.memref_slice %arg3[%dma_wait3A_80] : memref<345600xi32, #tpu.memory_space<hbm>> -> memref<120xi32, #tpu.memory_space<hbm>>
      tpu.wait_dma2 semaphore(%arg24 : memref<!tpu.dma_semaphore, #tpu.memory_space<semaphore_mem>>) src(%dma_wait3A_81 : memref<120xi32, #tpu.memory_space<hbm>>) dst(%arg8 : memref<120xi32, #tpu.memory_space<vmem>>)
      %dma_wait3A_82 = arith.constant 0 : i32
      %dma_wait3A_83 = tpu.memref_slice %arg3[%dma_wait3A_82] : memref<345600xi32, #tpu.memory_space<hbm>> -> memref<120xi32, #tpu.memory_space<hbm>>
      %dma_wait3A_84 = arith.constant 0 : i32
      %dma_wait3A_85 = tpu.memref_slice %arg3[%dma_wait3A_84] : memref<345600xi32, #tpu.memory_space<hbm>> -> memref<120xi32, #tpu.memory_space<hbm>>
      tpu.wait_dma2 semaphore(%arg25 : memref<!tpu.dma_semaphore, #tpu.memory_space<semaphore_mem>>) src(%dma_wait3A_85 : memref<120xi32, #tpu.memory_space<hbm>>) dst(%arg9 : memref<120xi32, #tpu.memory_space<vmem>>)
      %dma_start3A_86 = arith.constant 0 : i32
      %dma_start3A_87 = arith.constant 0 : i32
      %dma_start3A_88 = tpu.memref_slice %arg2[%dma_start3A_86, %dma_start3A_87] : memref<10000x128xf32, #tpu.memory_space<hbm>> -> memref<10000x128xf32, #tpu.memory_space<hbm>>
      tpu.enqueue_indirect_dma source(%dma_start3A_88 : memref<10000x128xf32, #tpu.memory_space<hbm>>) target(%arg13 : memref<120x128xf32, #tpu.memory_space<vmem>>) offsets(%arg7 : memref<120xi32, #tpu.memory_space<vmem>>) semaphore(%arg17 : memref<!tpu.dma_semaphore, #tpu.memory_space<semaphore_mem>>)
      %dma_start3A_89 = arith.constant 0 : i32
      %dma_start3A_90 = arith.constant 0 : i32
      %dma_start3A_91 = tpu.memref_slice %arg2[%dma_start3A_89, %dma_start3A_90] : memref<10000x128xf32, #tpu.memory_space<hbm>> -> memref<10000x128xf32, #tpu.memory_space<hbm>>
      tpu.enqueue_indirect_dma source(%dma_start3A_91 : memref<10000x128xf32, #tpu.memory_space<hbm>>) target(%arg14 : memref<120x128xf32, #tpu.memory_space<vmem>>) offsets(%arg8 : memref<120xi32, #tpu.memory_space<vmem>>) semaphore(%arg18 : memref<!tpu.dma_semaphore, #tpu.memory_space<semaphore_mem>>)
      %dma_start3A_92 = arith.constant 0 : i32
      %dma_start3A_93 = arith.constant 0 : i32
      %dma_start3A_94 = tpu.memref_slice %arg2[%dma_start3A_92, %dma_start3A_93] : memref<10000x128xf32, #tpu.memory_space<hbm>> -> memref<10000x128xf32, #tpu.memory_space<hbm>>
      tpu.enqueue_indirect_dma source(%dma_start3A_94 : memref<10000x128xf32, #tpu.memory_space<hbm>>) target(%arg15 : memref<120x128xf32, #tpu.memory_space<vmem>>) offsets(%arg9 : memref<120xi32, #tpu.memory_space<vmem>>) semaphore(%arg19 : memref<!tpu.dma_semaphore, #tpu.memory_space<semaphore_mem>>)
      %dma_wait3A_95 = arith.constant 0 : i32
      %dma_wait3A_96 = tpu.memref_slice %arg4[%dma_wait3A_95] : memref<345600xi32, #tpu.memory_space<hbm>> -> memref<120xi32, #tpu.memory_space<hbm>>
      %dma_wait3A_97 = arith.constant 0 : i32
      %dma_wait3A_98 = tpu.memref_slice %arg4[%dma_wait3A_97] : memref<345600xi32, #tpu.memory_space<hbm>> -> memref<120xi32, #tpu.memory_space<hbm>>
      tpu.wait_dma2 semaphore(%arg26 : memref<!tpu.dma_semaphore, #tpu.memory_space<semaphore_mem>>) src(%dma_wait3A_98 : memref<120xi32, #tpu.memory_space<hbm>>) dst(%arg10 : memref<120xi32, #tpu.memory_space<vmem>>)
      %dma_wait3A_99 = arith.constant 0 : i32
      %dma_wait3A_100 = arith.constant 0 : i32
      %dma_wait3A_101 = tpu.memref_slice %arg2[%dma_wait3A_99, %dma_wait3A_100] : memref<10000x128xf32, #tpu.memory_space<hbm>> -> memref<10000x128xf32, #tpu.memory_space<hbm>>
      tpu.wait_indirect_dma semaphore(%arg17 : memref<!tpu.dma_semaphore, #tpu.memory_space<semaphore_mem>>) src(%dma_wait3A_101 : memref<10000x128xf32, #tpu.memory_space<hbm>>) dst(%arg13 : memref<120x128xf32, #tpu.memory_space<vmem>>)
      %dma_wait3A_102 = arith.constant 0 : i32
      %dma_wait3A_103 = tpu.memref_slice %arg4[%dma_wait3A_102] : memref<345600xi32, #tpu.memory_space<hbm>> -> memref<120xi32, #tpu.memory_space<hbm>>
      %dma_wait3A_104 = arith.constant 0 : i32
      %dma_wait3A_105 = tpu.memref_slice %arg4[%dma_wait3A_104] : memref<345600xi32, #tpu.memory_space<hbm>> -> memref<120xi32, #tpu.memory_space<hbm>>
      tpu.wait_dma2 semaphore(%arg27 : memref<!tpu.dma_semaphore, #tpu.memory_space<semaphore_mem>>) src(%dma_wait3A_105 : memref<120xi32, #tpu.memory_space<hbm>>) dst(%arg11 : memref<120xi32, #tpu.memory_space<vmem>>)
      %dma_wait3A_106 = arith.constant 0 : i32
      %dma_wait3A_107 = arith.constant 0 : i32
      %dma_wait3A_108 = tpu.memref_slice %arg2[%dma_wait3A_106, %dma_wait3A_107] : memref<10000x128xf32, #tpu.memory_space<hbm>> -> memref<10000x128xf32, #tpu.memory_space<hbm>>
      tpu.wait_indirect_dma semaphore(%arg18 : memref<!tpu.dma_semaphore, #tpu.memory_space<semaphore_mem>>) src(%dma_wait3A_108 : memref<10000x128xf32, #tpu.memory_space<hbm>>) dst(%arg14 : memref<120x128xf32, #tpu.memory_space<vmem>>)
      %dma_wait3A_109 = arith.constant 0 : i32
      %dma_wait3A_110 = tpu.memref_slice %arg4[%dma_wait3A_109] : memref<345600xi32, #tpu.memory_space<hbm>> -> memref<120xi32, #tpu.memory_space<hbm>>
      %dma_wait3A_111 = arith.constant 0 : i32
      %dma_wait3A_112 = tpu.memref_slice %arg4[%dma_wait3A_111] : memref<345600xi32, #tpu.memory_space<hbm>> -> memref<120xi32, #tpu.memory_space<hbm>>
      tpu.wait_dma2 semaphore(%arg28 : memref<!tpu.dma_semaphore, #tpu.memory_space<semaphore_mem>>) src(%dma_wait3A_112 : memref<120xi32, #tpu.memory_space<hbm>>) dst(%arg12 : memref<120xi32, #tpu.memory_space<vmem>>)
      %dma_wait3A_113 = arith.constant 0 : i32
      %dma_wait3A_114 = arith.constant 0 : i32
      %dma_wait3A_115 = tpu.memref_slice %arg2[%dma_wait3A_113, %dma_wait3A_114] : memref<10000x128xf32, #tpu.memory_space<hbm>> -> memref<10000x128xf32, #tpu.memory_space<hbm>>
      tpu.wait_indirect_dma semaphore(%arg19 : memref<!tpu.dma_semaphore, #tpu.memory_space<semaphore_mem>>) src(%dma_wait3A_115 : memref<10000x128xf32, #tpu.memory_space<hbm>>) dst(%arg15 : memref<120x128xf32, #tpu.memory_space<vmem>>)
      %dma_start3A_116 = arith.constant 0 : i32
      %dma_start3A_117 = arith.constant 0 : i32
      %dma_start3A_118 = tpu.memref_slice %arg16[%dma_start3A_116, %dma_start3A_117] : memref<10112x128xf32, #tpu.memory_space<vmem_shared>> -> memref<10112x128xf32, #tpu.memory_space<vmem_shared>>
      tpu.enqueue_indirect_dma source(%arg13 : memref<120x128xf32, #tpu.memory_space<vmem>>) target(%dma_start3A_118 : memref<10112x128xf32, #tpu.memory_space<vmem_shared>>) offsets(%arg10 : memref<120xi32, #tpu.memory_space<vmem>>) semaphore(%arg20 : memref<!tpu.dma_semaphore, #tpu.memory_space<semaphore_mem>>) {add = true}
      %dma_start3A_119 = arith.constant 0 : i32
      %dma_start3A_120 = arith.constant 0 : i32
      %dma_start3A_121 = tpu.memref_slice %arg16[%dma_start3A_119, %dma_start3A_120] : memref<10112x128xf32, #tpu.memory_space<vmem_shared>> -> memref<10112x128xf32, #tpu.memory_space<vmem_shared>>
      tpu.enqueue_indirect_dma source(%arg14 : memref<120x128xf32, #tpu.memory_space<vmem>>) target(%dma_start3A_121 : memref<10112x128xf32, #tpu.memory_space<vmem_shared>>) offsets(%arg11 : memref<120xi32, #tpu.memory_space<vmem>>) semaphore(%arg21 : memref<!tpu.dma_semaphore, #tpu.memory_space<semaphore_mem>>) {add = true}
      %dma_start3A_122 = arith.constant 0 : i32
      %dma_start3A_123 = arith.constant 0 : i32
      %dma_start3A_124 = tpu.memref_slice %arg16[%dma_start3A_122, %dma_start3A_123] : memref<10112x128xf32, #tpu.memory_space<vmem_shared>> -> memref<10112x128xf32, #tpu.memory_space<vmem_shared>>
      tpu.enqueue_indirect_dma source(%arg15 : memref<120x128xf32, #tpu.memory_space<vmem>>) target(%dma_start3A_124 : memref<10112x128xf32, #tpu.memory_space<vmem_shared>>) offsets(%arg12 : memref<120xi32, #tpu.memory_space<vmem>>) semaphore(%arg22 : memref<!tpu.dma_semaphore, #tpu.memory_space<semaphore_mem>>) {add = true}
      %dma_wait3A_125 = arith.constant 0 : i32
      %dma_wait3A_126 = arith.constant 0 : i32
      %dma_wait3A_127 = tpu.memref_slice %arg16[%dma_wait3A_125, %dma_wait3A_126] : memref<10112x128xf32, #tpu.memory_space<vmem_shared>> -> memref<10112x128xf32, #tpu.memory_space<vmem_shared>>
      tpu.wait_indirect_dma semaphore(%arg20 : memref<!tpu.dma_semaphore, #tpu.memory_space<semaphore_mem>>) src(%arg13 : memref<120x128xf32, #tpu.memory_space<vmem>>) dst(%dma_wait3A_127 : memref<10112x128xf32, #tpu.memory_space<vmem_shared>>)
      %add3A_128 = arith.constant 3 : i32
      %add3A_129 = arith.addi %mul3A_73, %add3A_128 : i32
      %add3A_130 = arith.constant 0 : i32
      %add3A_131 = arith.addi %add3A_129, %add3A_130 : i32
      %mul3A_132 = arith.constant 32 : i32
      %mul3A_133 = arith.muli %add3A_131, %mul3A_132 : i32
      %add3A_134 = arith.addi %mul3A_133, %add3A : i32
      %mul3A_135 = arith.constant 120 : i32
      %mul3A_136 = arith.muli %add3A_134, %mul3A_135 : i32
      %dma_start3A_137 = tpu.memref_slice %arg3[%mul3A_136] : memref<345600xi32, #tpu.memory_space<hbm>> -> memref<120xi32, #tpu.memory_space<hbm>>
      %dma_start3A_138 = tpu.memref_slice %arg3[%mul3A_136] : memref<345600xi32, #tpu.memory_space<hbm>> -> memref<120xi32, #tpu.memory_space<hbm>>
      tpu.enqueue_dma source(%dma_start3A_138 : memref<120xi32, #tpu.memory_space<hbm>>) target(%arg7 : memref<120xi32, #tpu.memory_space<vmem>>) target_semaphore(%arg23 : memref<!tpu.dma_semaphore, #tpu.memory_space<semaphore_mem>>)
      %mul3A_139 = arith.constant 32 : i32
      %mul3A_140 = arith.muli %add3A_131, %mul3A_139 : i32
      %add3A_141 = arith.addi %mul3A_140, %add3A : i32
      %mul3A_142 = arith.constant 120 : i32
      %mul3A_143 = arith.muli %add3A_141, %mul3A_142 : i32
      %dma_start3A_144 = tpu.memref_slice %arg4[%mul3A_143] : memref<345600xi32, #tpu.memory_space<hbm>> -> memref<120xi32, #tpu.memory_space<hbm>>
      %dma_start3A_145 = tpu.memref_slice %arg4[%mul3A_143] : memref<345600xi32, #tpu.memory_space<hbm>> -> memref<120xi32, #tpu.memory_space<hbm>>
      tpu.enqueue_dma source(%dma_start3A_145 : memref<120xi32, #tpu.memory_space<hbm>>) target(%arg10 : memref<120xi32, #tpu.memory_space<vmem>>) target_semaphore(%arg26 : memref<!tpu.dma_semaphore, #tpu.memory_space<semaphore_mem>>)
      %dma_wait3A_146 = arith.constant 0 : i32
      %dma_wait3A_147 = arith.constant 0 : i32
      %dma_wait3A_148 = tpu.memref_slice %arg16[%dma_wait3A_146, %dma_wait3A_147] : memref<10112x128xf32, #tpu.memory_space<vmem_shared>> -> memref<10112x128xf32, #tpu.memory_space<vmem_shared>>
      tpu.wait_indirect_dma semaphore(%arg21 : memref<!tpu.dma_semaphore, #tpu.memory_space<semaphore_mem>>) src(%arg14 : memref<120x128xf32, #tpu.memory_space<vmem>>) dst(%dma_wait3A_148 : memref<10112x128xf32, #tpu.memory_space<vmem_shared>>)
      %add3A_149 = arith.constant 3 : i32
      %add3A_150 = arith.addi %mul3A_73, %add3A_149 : i32
      %add3A_151 = arith.constant 1 : i32
      %add3A_152 = arith.addi %add3A_150, %add3A_151 : i32
      %mul3A_153 = arith.constant 32 : i32
      %mul3A_154 = arith.muli %add3A_152, %mul3A_153 : i32
      %add3A_155 = arith.addi %mul3A_154, %add3A : i32
      %mul3A_156 = arith.constant 120 : i32
      %mul3A_157 = arith.muli %add3A_155, %mul3A_156 : i32
      %dma_start3A_158 = tpu.memref_slice %arg3[%mul3A_157] : memref<345600xi32, #tpu.memory_space<hbm>> -> memref<120xi32, #tpu.memory_space<hbm>>
      %dma_start3A_159 = tpu.memref_slice %arg3[%mul3A_157] : memref<345600xi32, #tpu.memory_space<hbm>> -> memref<120xi32, #tpu.memory_space<hbm>>
      tpu.enqueue_dma source(%dma_start3A_159 : memref<120xi32, #tpu.memory_space<hbm>>) target(%arg8 : memref<120xi32, #tpu.memory_space<vmem>>) target_semaphore(%arg24 : memref<!tpu.dma_semaphore, #tpu.memory_space<semaphore_mem>>)
      %mul3A_160 = arith.constant 32 : i32
      %mul3A_161 = arith.muli %add3A_152, %mul3A_160 : i32
      %add3A_162 = arith.addi %mul3A_161, %add3A : i32
      %mul3A_163 = arith.constant 120 : i32
      %mul3A_164 = arith.muli %add3A_162, %mul3A_163 : i32
      %dma_start3A_165 = tpu.memref_slice %arg4[%mul3A_164] : memref<345600xi32, #tpu.memory_space<hbm>> -> memref<120xi32, #tpu.memory_space<hbm>>
      %dma_start3A_166 = tpu.memref_slice %arg4[%mul3A_164] : memref<345600xi32, #tpu.memory_space<hbm>> -> memref<120xi32, #tpu.memory_space<hbm>>
      tpu.enqueue_dma source(%dma_start3A_166 : memref<120xi32, #tpu.memory_space<hbm>>) target(%arg11 : memref<120xi32, #tpu.memory_space<vmem>>) target_semaphore(%arg27 : memref<!tpu.dma_semaphore, #tpu.memory_space<semaphore_mem>>)
      %dma_wait3A_167 = arith.constant 0 : i32
      %dma_wait3A_168 = arith.constant 0 : i32
      %dma_wait3A_169 = tpu.memref_slice %arg16[%dma_wait3A_167, %dma_wait3A_168] : memref<10112x128xf32, #tpu.memory_space<vmem_shared>> -> memref<10112x128xf32, #tpu.memory_space<vmem_shared>>
      tpu.wait_indirect_dma semaphore(%arg22 : memref<!tpu.dma_semaphore, #tpu.memory_space<semaphore_mem>>) src(%arg15 : memref<120x128xf32, #tpu.memory_space<vmem>>) dst(%dma_wait3A_169 : memref<10112x128xf32, #tpu.memory_space<vmem_shared>>)
      %add3A_170 = arith.constant 3 : i32
      %add3A_171 = arith.addi %mul3A_73, %add3A_170 : i32
      %add3A_172 = arith.constant 2 : i32
      %add3A_173 = arith.addi %add3A_171, %add3A_172 : i32
      %mul3A_174 = arith.constant 32 : i32
      %mul3A_175 = arith.muli %add3A_173, %mul3A_174 : i32
      %add3A_176 = arith.addi %mul3A_175, %add3A : i32
      %mul3A_177 = arith.constant 120 : i32
      %mul3A_178 = arith.muli %add3A_176, %mul3A_177 : i32
      %dma_start3A_179 = tpu.memref_slice %arg3[%mul3A_178] : memref<345600xi32, #tpu.memory_space<hbm>> -> memref<120xi32, #tpu.memory_space<hbm>>
      %dma_start3A_180 = tpu.memref_slice %arg3[%mul3A_178] : memref<345600xi32, #tpu.memory_space<hbm>> -> memref<120xi32, #tpu.memory_space<hbm>>
      tpu.enqueue_dma source(%dma_start3A_180 : memref<120xi32, #tpu.memory_space<hbm>>) target(%arg9 : memref<120xi32, #tpu.memory_space<vmem>>) target_semaphore(%arg25 : memref<!tpu.dma_semaphore, #tpu.memory_space<semaphore_mem>>)
      %mul3A_181 = arith.constant 32 : i32
      %mul3A_182 = arith.muli %add3A_173, %mul3A_181 : i32
      %add3A_183 = arith.addi %mul3A_182, %add3A : i32
      %mul3A_184 = arith.constant 120 : i32
      %mul3A_185 = arith.muli %add3A_183, %mul3A_184 : i32
      %dma_start3A_186 = tpu.memref_slice %arg4[%mul3A_185] : memref<345600xi32, #tpu.memory_space<hbm>> -> memref<120xi32, #tpu.memory_space<hbm>>
      %dma_start3A_187 = tpu.memref_slice %arg4[%mul3A_185] : memref<345600xi32, #tpu.memory_space<hbm>> -> memref<120xi32, #tpu.memory_space<hbm>>
      tpu.enqueue_dma source(%dma_start3A_187 : memref<120xi32, #tpu.memory_space<hbm>>) target(%arg12 : memref<120xi32, #tpu.memory_space<vmem>>) target_semaphore(%arg28 : memref<!tpu.dma_semaphore, #tpu.memory_space<semaphore_mem>>)
    }
    %scan3A_42 = arith.constant 28 : i32
    %dma_wait3A = arith.constant 0 : i32
    %dma_wait3A_43 = tpu.memref_slice %arg3[%dma_wait3A] : memref<345600xi32, #tpu.memory_space<hbm>> -> memref<120xi32, #tpu.memory_space<hbm>>
    %dma_wait3A_44 = arith.constant 0 : i32
    %dma_wait3A_45 = tpu.memref_slice %arg3[%dma_wait3A_44] : memref<345600xi32, #tpu.memory_space<hbm>> -> memref<120xi32, #tpu.memory_space<hbm>>
    tpu.wait_dma2 semaphore(%arg23 : memref<!tpu.dma_semaphore, #tpu.memory_space<semaphore_mem>>) src(%dma_wait3A_45 : memref<120xi32, #tpu.memory_space<hbm>>) dst(%arg7 : memref<120xi32, #tpu.memory_space<vmem>>)
    %dma_wait3A_46 = arith.constant 0 : i32
    %dma_wait3A_47 = tpu.memref_slice %arg4[%dma_wait3A_46] : memref<345600xi32, #tpu.memory_space<hbm>> -> memref<120xi32, #tpu.memory_space<hbm>>
    %dma_wait3A_48 = arith.constant 0 : i32
    %dma_wait3A_49 = tpu.memref_slice %arg4[%dma_wait3A_48] : memref<345600xi32, #tpu.memory_space<hbm>> -> memref<120xi32, #tpu.memory_space<hbm>>
    tpu.wait_dma2 semaphore(%arg26 : memref<!tpu.dma_semaphore, #tpu.memory_space<semaphore_mem>>) src(%dma_wait3A_49 : memref<120xi32, #tpu.memory_space<hbm>>) dst(%arg10 : memref<120xi32, #tpu.memory_space<vmem>>)
    %dma_wait3A_50 = arith.constant 0 : i32
    %dma_wait3A_51 = tpu.memref_slice %arg3[%dma_wait3A_50] : memref<345600xi32, #tpu.memory_space<hbm>> -> memref<120xi32, #tpu.memory_space<hbm>>
    %dma_wait3A_52 = arith.constant 0 : i32
    %dma_wait3A_53 = tpu.memref_slice %arg3[%dma_wait3A_52] : memref<345600xi32, #tpu.memory_space<hbm>> -> memref<120xi32, #tpu.memory_space<hbm>>
    tpu.wait_dma2 semaphore(%arg24 : memref<!tpu.dma_semaphore, #tpu.memory_space<semaphore_mem>>) src(%dma_wait3A_53 : memref<120xi32, #tpu.memory_space<hbm>>) dst(%arg8 : memref<120xi32, #tpu.memory_space<vmem>>)
    %dma_wait3A_54 = arith.constant 0 : i32
    %dma_wait3A_55 = tpu.memref_slice %arg4[%dma_wait3A_54] : memref<345600xi32, #tpu.memory_space<hbm>> -> memref<120xi32, #tpu.memory_space<hbm>>
    %dma_wait3A_56 = arith.constant 0 : i32
    %dma_wait3A_57 = tpu.memref_slice %arg4[%dma_wait3A_56] : memref<345600xi32, #tpu.memory_space<hbm>> -> memref<120xi32, #tpu.memory_space<hbm>>
    tpu.wait_dma2 semaphore(%arg27 : memref<!tpu.dma_semaphore, #tpu.memory_space<semaphore_mem>>) src(%dma_wait3A_57 : memref<120xi32, #tpu.memory_space<hbm>>) dst(%arg11 : memref<120xi32, #tpu.memory_space<vmem>>)
    %dma_wait3A_58 = arith.constant 0 : i32
    %dma_wait3A_59 = tpu.memref_slice %arg3[%dma_wait3A_58] : memref<345600xi32, #tpu.memory_space<hbm>> -> memref<120xi32, #tpu.memory_space<hbm>>
    %dma_wait3A_60 = arith.constant 0 : i32
    %dma_wait3A_61 = tpu.memref_slice %arg3[%dma_wait3A_60] : memref<345600xi32, #tpu.memory_space<hbm>> -> memref<120xi32, #tpu.memory_space<hbm>>
    tpu.wait_dma2 semaphore(%arg25 : memref<!tpu.dma_semaphore, #tpu.memory_space<semaphore_mem>>) src(%dma_wait3A_61 : memref<120xi32, #tpu.memory_space<hbm>>) dst(%arg9 : memref<120xi32, #tpu.memory_space<vmem>>)
    %dma_wait3A_62 = arith.constant 0 : i32
    %dma_wait3A_63 = tpu.memref_slice %arg4[%dma_wait3A_62] : memref<345600xi32, #tpu.memory_space<hbm>> -> memref<120xi32, #tpu.memory_space<hbm>>
    %dma_wait3A_64 = arith.constant 0 : i32
    %dma_wait3A_65 = tpu.memref_slice %arg4[%dma_wait3A_64] : memref<345600xi32, #tpu.memory_space<hbm>> -> memref<120xi32, #tpu.memory_space<hbm>>
    tpu.wait_dma2 semaphore(%arg28 : memref<!tpu.dma_semaphore, #tpu.memory_space<semaphore_mem>>) src(%dma_wait3A_65 : memref<120xi32, #tpu.memory_space<hbm>>) dst(%arg12 : memref<120xi32, #tpu.memory_space<vmem>>)
    %barrier3A_66 = arith.constant 0 : index
    tpu.barrier barrier_id(%barrier3A_66)
    %mul3A_67 = arith.constant 632 : i32
    %mul3A_68 = arith.muli %arg1, %mul3A_67 : i32
    %mul3A_69 = arith.constant 632 : i32
    %mul3A_70 = arith.muli %arg1, %mul3A_69 : i32
    "tpu.region"() ({
      %run_scoped3A = tpu.sem_alloc : memref<!tpu.dma_semaphore, #tpu.memory_space<semaphore_mem>>
      %dma_start3A_71 = arith.constant 0 : i32
      %dma_start3A_72 = tpu.memref_slice %arg6[%arg0, %mul3A_70, %dma_start3A_71] : memref<2x10112x128xf32, #tpu.memory_space<hbm>> -> memref<1x632x128xf32, #tpu.memory_space<hbm>>
      %dma_start3A_73 = tpu.memref_squeeze %dma_start3A_72 : memref<1x632x128xf32, #tpu.memory_space<hbm>> -> memref<632x128xf32, #tpu.memory_space<hbm>>
      %dma_start3A_74 = arith.constant 0 : i32
      %dma_start3A_75 = tpu.memref_slice %arg16[%mul3A_68, %dma_start3A_74] : memref<10112x128xf32, #tpu.memory_space<vmem_shared>> -> memref<632x128xf32, #tpu.memory_space<vmem_shared>>
      tpu.enqueue_dma source(%dma_start3A_75 : memref<632x128xf32, #tpu.memory_space<vmem_shared>>) target(%dma_start3A_73 : memref<632x128xf32, #tpu.memory_space<hbm>>) target_semaphore(%run_scoped3A : memref<!tpu.dma_semaphore, #tpu.memory_space<semaphore_mem>>)
      %dma_wait3A_76 = arith.constant 0 : i32
      %dma_wait3A_77 = tpu.memref_slice %arg6[%arg0, %mul3A_70, %dma_wait3A_76] : memref<2x10112x128xf32, #tpu.memory_space<hbm>> -> memref<1x632x128xf32, #tpu.memory_space<hbm>>
      %dma_wait3A_78 = tpu.memref_squeeze %dma_wait3A_77 : memref<1x632x128xf32, #tpu.memory_space<hbm>> -> memref<632x128xf32, #tpu.memory_space<hbm>>
      %dma_wait3A_79 = arith.constant 0 : i32
      %dma_wait3A_80 = tpu.memref_slice %arg16[%mul3A_68, %dma_wait3A_79] : memref<10112x128xf32, #tpu.memory_space<vmem_shared>> -> memref<632x128xf32, #tpu.memory_space<vmem_shared>>
      tpu.wait_dma2 semaphore(%run_scoped3A : memref<!tpu.dma_semaphore, #tpu.memory_space<semaphore_mem>>) src(%dma_wait3A_80 : memref<632x128xf32, #tpu.memory_space<vmem_shared>>) dst(%dma_wait3A_78 : memref<632x128xf32, #tpu.memory_space<hbm>>)
      tpu.yield
    }) : () -> ()
    return
  }
}

#map = affine_map<(d0, d1) -> (0, 0)>
#map1 = affine_map<(d0, d1) -> (0)>
#map2 = affine_map<(d0, d1) -> (0, 0, 0)>
module attributes {stable_mosaic.version = 14 : i64} {
  func.func @sc_agg(%arg0: i32, %arg1: i32, %arg2: memref<10000x128xf32, #tpu.memory_space<hbm>>, %arg3: memref<345600xi32, #tpu.memory_space<hbm>>, %arg4: memref<345600xi32, #tpu.memory_space<hbm>>, %arg5: memref<632x128xf32, #tpu.memory_space<hbm>>, %arg6: memref<2x10112x128xf32, #tpu.memory_space<hbm>>, %arg7: memref<120xi32, #tpu.memory_space<vmem>>, %arg8: memref<120xi32, #tpu.memory_space<vmem>>, %arg9: memref<120xi32, #tpu.memory_space<vmem>>, %arg10: memref<120xi32, #tpu.memory_space<vmem>>, %arg11: memref<120xi32, #tpu.memory_space<vmem>>, %arg12: memref<120xi32, #tpu.memory_space<vmem>>, %arg13: memref<120x128xf32, #tpu.memory_space<vmem>>, %arg14: memref<120x128xf32, #tpu.memory_space<vmem>>, %arg15: memref<120x128xf32, #tpu.memory_space<vmem>>, %arg16: memref<10112x128xf32, #tpu.memory_space<vmem_shared>>, %arg17: memref<!tpu.dma_semaphore, #tpu.memory_space<semaphore_mem>>, %arg18: memref<!tpu.dma_semaphore, #tpu.memory_space<semaphore_mem>>, %arg19: memref<!tpu.dma_semaphore, #tpu.memory_space<semaphore_mem>>, %arg20: memref<!tpu.dma_semaphore, #tpu.memory_space<semaphore_mem>>, %arg21: memref<!tpu.dma_semaphore, #tpu.memory_space<semaphore_mem>>, %arg22: memref<!tpu.dma_semaphore, #tpu.memory_space<semaphore_mem>>, %arg23: memref<!tpu.dma_semaphore, #tpu.memory_space<semaphore_mem>>, %arg24: memref<!tpu.dma_semaphore, #tpu.memory_space<semaphore_mem>>, %arg25: memref<!tpu.dma_semaphore, #tpu.memory_space<semaphore_mem>>, %arg26: memref<!tpu.dma_semaphore, #tpu.memory_space<semaphore_mem>>, %arg27: memref<!tpu.dma_semaphore, #tpu.memory_space<semaphore_mem>>, %arg28: memref<!tpu.dma_semaphore, #tpu.memory_space<semaphore_mem>>) attributes {dimension_semantics = [#tpu.dimension_semantics<core_parallel>, #tpu.dimension_semantics<subcore_parallel>], iteration_bounds = array<i64: 2, 16>, scalar_prefetch = 0 : i64, scratch_operands = 22 : i64, tpu.core_type = #tpu.core_type<sc_vector_subcore>, window_params = [{transform_indices = #map}, {transform_indices = #map1}, {transform_indices = #map1}, {transform_indices = #map}, {transform_indices = #map2}]} {
    %mul3A = arith.constant 2 : i32
    %mul3A_0 = arith.muli %arg1, %mul3A : i32
    %add3A = arith.addi %mul3A_0, %arg0 : i32
    %add3A_1 = arith.constant 0 : i32
    %add3A_2 = arith.addi %add3A_1, %add3A : i32
    %mul3A_3 = arith.constant 120 : i32
    %mul3A_4 = arith.muli %add3A_2, %mul3A_3 : i32
    %dma_start3A = tpu.memref_slice %arg3[%mul3A_4] : memref<345600xi32, #tpu.memory_space<hbm>> -> memref<120xi32, #tpu.memory_space<hbm>>
    %dma_start3A_5 = tpu.memref_slice %arg3[%mul3A_4] : memref<345600xi32, #tpu.memory_space<hbm>> -> memref<120xi32, #tpu.memory_space<hbm>>
    tpu.enqueue_dma source(%dma_start3A_5 : memref<120xi32, #tpu.memory_space<hbm>>) target(%arg7 : memref<120xi32, #tpu.memory_space<vmem>>) target_semaphore(%arg23 : memref<!tpu.dma_semaphore, #tpu.memory_space<semaphore_mem>>)
    %add3A_6 = arith.constant 0 : i32
    %add3A_7 = arith.addi %add3A_6, %add3A : i32
    %mul3A_8 = arith.constant 120 : i32
    %mul3A_9 = arith.muli %add3A_7, %mul3A_8 : i32
    %dma_start3A_10 = tpu.memref_slice %arg4[%mul3A_9] : memref<345600xi32, #tpu.memory_space<hbm>> -> memref<120xi32, #tpu.memory_space<hbm>>
    %dma_start3A_11 = tpu.memref_slice %arg4[%mul3A_9] : memref<345600xi32, #tpu.memory_space<hbm>> -> memref<120xi32, #tpu.memory_space<hbm>>
    tpu.enqueue_dma source(%dma_start3A_11 : memref<120xi32, #tpu.memory_space<hbm>>) target(%arg10 : memref<120xi32, #tpu.memory_space<vmem>>) target_semaphore(%arg26 : memref<!tpu.dma_semaphore, #tpu.memory_space<semaphore_mem>>)
    %add3A_12 = arith.constant 32 : i32
    %add3A_13 = arith.addi %add3A_12, %add3A : i32
    %mul3A_14 = arith.constant 120 : i32
    %mul3A_15 = arith.muli %add3A_13, %mul3A_14 : i32
    %dma_start3A_16 = tpu.memref_slice %arg3[%mul3A_15] : memref<345600xi32, #tpu.memory_space<hbm>> -> memref<120xi32, #tpu.memory_space<hbm>>
    %dma_start3A_17 = tpu.memref_slice %arg3[%mul3A_15] : memref<345600xi32, #tpu.memory_space<hbm>> -> memref<120xi32, #tpu.memory_space<hbm>>
    tpu.enqueue_dma source(%dma_start3A_17 : memref<120xi32, #tpu.memory_space<hbm>>) target(%arg8 : memref<120xi32, #tpu.memory_space<vmem>>) target_semaphore(%arg24 : memref<!tpu.dma_semaphore, #tpu.memory_space<semaphore_mem>>)
    %add3A_18 = arith.constant 32 : i32
    %add3A_19 = arith.addi %add3A_18, %add3A : i32
    %mul3A_20 = arith.constant 120 : i32
    %mul3A_21 = arith.muli %add3A_19, %mul3A_20 : i32
    %dma_start3A_22 = tpu.memref_slice %arg4[%mul3A_21] : memref<345600xi32, #tpu.memory_space<hbm>> -> memref<120xi32, #tpu.memory_space<hbm>>
    %dma_start3A_23 = tpu.memref_slice %arg4[%mul3A_21] : memref<345600xi32, #tpu.memory_space<hbm>> -> memref<120xi32, #tpu.memory_space<hbm>>
    tpu.enqueue_dma source(%dma_start3A_23 : memref<120xi32, #tpu.memory_space<hbm>>) target(%arg11 : memref<120xi32, #tpu.memory_space<vmem>>) target_semaphore(%arg27 : memref<!tpu.dma_semaphore, #tpu.memory_space<semaphore_mem>>)
    %add3A_24 = arith.constant 64 : i32
    %add3A_25 = arith.addi %add3A_24, %add3A : i32
    %mul3A_26 = arith.constant 120 : i32
    %mul3A_27 = arith.muli %add3A_25, %mul3A_26 : i32
    %dma_start3A_28 = tpu.memref_slice %arg3[%mul3A_27] : memref<345600xi32, #tpu.memory_space<hbm>> -> memref<120xi32, #tpu.memory_space<hbm>>
    %dma_start3A_29 = tpu.memref_slice %arg3[%mul3A_27] : memref<345600xi32, #tpu.memory_space<hbm>> -> memref<120xi32, #tpu.memory_space<hbm>>
    tpu.enqueue_dma source(%dma_start3A_29 : memref<120xi32, #tpu.memory_space<hbm>>) target(%arg9 : memref<120xi32, #tpu.memory_space<vmem>>) target_semaphore(%arg25 : memref<!tpu.dma_semaphore, #tpu.memory_space<semaphore_mem>>)
    %add3A_30 = arith.constant 64 : i32
    %add3A_31 = arith.addi %add3A_30, %add3A : i32
    %mul3A_32 = arith.constant 120 : i32
    %mul3A_33 = arith.muli %add3A_31, %mul3A_32 : i32
    %dma_start3A_34 = tpu.memref_slice %arg4[%mul3A_33] : memref<345600xi32, #tpu.memory_space<hbm>> -> memref<120xi32, #tpu.memory_space<hbm>>
    %dma_start3A_35 = tpu.memref_slice %arg4[%mul3A_33] : memref<345600xi32, #tpu.memory_space<hbm>> -> memref<120xi32, #tpu.memory_space<hbm>>
    tpu.enqueue_dma source(%dma_start3A_35 : memref<120xi32, #tpu.memory_space<hbm>>) target(%arg12 : memref<120xi32, #tpu.memory_space<vmem>>) target_semaphore(%arg28 : memref<!tpu.dma_semaphore, #tpu.memory_space<semaphore_mem>>)
    %mul3A_36 = arith.constant 632 : i32
    %mul3A_37 = arith.muli %arg1, %mul3A_36 : i32
    "tpu.region"() ({
      %run_scoped3A = tpu.sem_alloc : memref<!tpu.dma_semaphore, #tpu.memory_space<semaphore_mem>>
      %dma_start3A_71 = arith.constant 0 : i32
      %dma_start3A_72 = tpu.memref_slice %arg16[%mul3A_37, %dma_start3A_71] : memref<10112x128xf32, #tpu.memory_space<vmem_shared>> -> memref<632x128xf32, #tpu.memory_space<vmem_shared>>
      tpu.enqueue_dma source(%arg5 : memref<632x128xf32, #tpu.memory_space<hbm>>) target(%dma_start3A_72 : memref<632x128xf32, #tpu.memory_space<vmem_shared>>) target_semaphore(%run_scoped3A : memref<!tpu.dma_semaphore, #tpu.memory_space<semaphore_mem>>)
      %dma_wait3A_73 = arith.constant 0 : i32
      %dma_wait3A_74 = tpu.memref_slice %arg16[%mul3A_37, %dma_wait3A_73] : memref<10112x128xf32, #tpu.memory_space<vmem_shared>> -> memref<632x128xf32, #tpu.memory_space<vmem_shared>>
      tpu.wait_dma2 semaphore(%run_scoped3A : memref<!tpu.dma_semaphore, #tpu.memory_space<semaphore_mem>>) src(%arg5 : memref<632x128xf32, #tpu.memory_space<hbm>>) dst(%dma_wait3A_74 : memref<632x128xf32, #tpu.memory_space<vmem_shared>>)
      tpu.yield
    }) : () -> ()
    %barrier3A = arith.constant 0 : index
    tpu.barrier barrier_id(%barrier3A)
    %scan3A = arith.constant 0 : i32
    %scan3A_38 = arith.constant 0 : i32
    %scan3A_39 = arith.constant 28 : i32
    %scan3A_40 = arith.addi %scan3A_38, %scan3A_39 : i32
    %scan3A_41 = arith.constant 1 : i32
    scf.for %scan3A_71 = %scan3A_38 to %scan3A_40 step %scan3A_41  : i32 {
      %mul3A_72 = arith.constant 3 : i32
      %mul3A_73 = arith.muli %mul3A_72, %scan3A_71 : i32
      %dma_wait3A_74 = arith.constant 0 : i32
      %dma_wait3A_75 = tpu.memref_slice %arg3[%dma_wait3A_74] : memref<345600xi32, #tpu.memory_space<hbm>> -> memref<120xi32, #tpu.memory_space<hbm>>
      %dma_wait3A_76 = arith.constant 0 : i32
      %dma_wait3A_77 = tpu.memref_slice %arg3[%dma_wait3A_76] : memref<345600xi32, #tpu.memory_space<hbm>> -> memref<120xi32, #tpu.memory_space<hbm>>
      tpu.wait_dma2 semaphore(%arg23 : memref<!tpu.dma_semaphore, #tpu.memory_space<semaphore_mem>>) src(%dma_wait3A_77 : memref<120xi32, #tpu.memory_space<hbm>>) dst(%arg7 : memref<120xi32, #tpu.memory_space<vmem>>)
      %dma_wait3A_78 = arith.constant 0 : i32
      %dma_wait3A_79 = tpu.memref_slice %arg3[%dma_wait3A_78] : memref<345600xi32, #tpu.memory_space<hbm>> -> memref<120xi32, #tpu.memory_space<hbm>>
      %dma_wait3A_80 = arith.constant 0 : i32
      %dma_wait3A_81 = tpu.memref_slice %arg3[%dma_wait3A_80] : memref<345600xi32, #tpu.memory_space<hbm>> -> memref<120xi32, #tpu.memory_space<hbm>>
      tpu.wait_dma2 semaphore(%arg24 : memref<!tpu.dma_semaphore, #tpu.memory_space<semaphore_mem>>) src(%dma_wait3A_81 : memref<120xi32, #tpu.memory_space<hbm>>) dst(%arg8 : memref<120xi32, #tpu.memory_space<vmem>>)
      %dma_wait3A_82 = arith.constant 0 : i32
      %dma_wait3A_83 = tpu.memref_slice %arg3[%dma_wait3A_82] : memref<345600xi32, #tpu.memory_space<hbm>> -> memref<120xi32, #tpu.memory_space<hbm>>
      %dma_wait3A_84 = arith.constant 0 : i32
      %dma_wait3A_85 = tpu.memref_slice %arg3[%dma_wait3A_84] : memref<345600xi32, #tpu.memory_space<hbm>> -> memref<120xi32, #tpu.memory_space<hbm>>
      tpu.wait_dma2 semaphore(%arg25 : memref<!tpu.dma_semaphore, #tpu.memory_space<semaphore_mem>>) src(%dma_wait3A_85 : memref<120xi32, #tpu.memory_space<hbm>>) dst(%arg9 : memref<120xi32, #tpu.memory_space<vmem>>)
      %dma_start3A_86 = arith.constant 0 : i32
      %dma_start3A_87 = arith.constant 0 : i32
      %dma_start3A_88 = tpu.memref_slice %arg2[%dma_start3A_86, %dma_start3A_87] : memref<10000x128xf32, #tpu.memory_space<hbm>> -> memref<10000x128xf32, #tpu.memory_space<hbm>>
      tpu.enqueue_indirect_dma source(%dma_start3A_88 : memref<10000x128xf32, #tpu.memory_space<hbm>>) target(%arg13 : memref<120x128xf32, #tpu.memory_space<vmem>>) offsets(%arg7 : memref<120xi32, #tpu.memory_space<vmem>>) semaphore(%arg17 : memref<!tpu.dma_semaphore, #tpu.memory_space<semaphore_mem>>)
      %dma_start3A_89 = arith.constant 0 : i32
      %dma_start3A_90 = arith.constant 0 : i32
      %dma_start3A_91 = tpu.memref_slice %arg2[%dma_start3A_89, %dma_start3A_90] : memref<10000x128xf32, #tpu.memory_space<hbm>> -> memref<10000x128xf32, #tpu.memory_space<hbm>>
      tpu.enqueue_indirect_dma source(%dma_start3A_91 : memref<10000x128xf32, #tpu.memory_space<hbm>>) target(%arg14 : memref<120x128xf32, #tpu.memory_space<vmem>>) offsets(%arg8 : memref<120xi32, #tpu.memory_space<vmem>>) semaphore(%arg18 : memref<!tpu.dma_semaphore, #tpu.memory_space<semaphore_mem>>)
      %dma_start3A_92 = arith.constant 0 : i32
      %dma_start3A_93 = arith.constant 0 : i32
      %dma_start3A_94 = tpu.memref_slice %arg2[%dma_start3A_92, %dma_start3A_93] : memref<10000x128xf32, #tpu.memory_space<hbm>> -> memref<10000x128xf32, #tpu.memory_space<hbm>>
      tpu.enqueue_indirect_dma source(%dma_start3A_94 : memref<10000x128xf32, #tpu.memory_space<hbm>>) target(%arg15 : memref<120x128xf32, #tpu.memory_space<vmem>>) offsets(%arg9 : memref<120xi32, #tpu.memory_space<vmem>>) semaphore(%arg19 : memref<!tpu.dma_semaphore, #tpu.memory_space<semaphore_mem>>)
      %dma_wait3A_95 = arith.constant 0 : i32
      %dma_wait3A_96 = tpu.memref_slice %arg4[%dma_wait3A_95] : memref<345600xi32, #tpu.memory_space<hbm>> -> memref<120xi32, #tpu.memory_space<hbm>>
      %dma_wait3A_97 = arith.constant 0 : i32
      %dma_wait3A_98 = tpu.memref_slice %arg4[%dma_wait3A_97] : memref<345600xi32, #tpu.memory_space<hbm>> -> memref<120xi32, #tpu.memory_space<hbm>>
      tpu.wait_dma2 semaphore(%arg26 : memref<!tpu.dma_semaphore, #tpu.memory_space<semaphore_mem>>) src(%dma_wait3A_98 : memref<120xi32, #tpu.memory_space<hbm>>) dst(%arg10 : memref<120xi32, #tpu.memory_space<vmem>>)
      %dma_wait3A_99 = arith.constant 0 : i32
      %dma_wait3A_100 = arith.constant 0 : i32
      %dma_wait3A_101 = tpu.memref_slice %arg2[%dma_wait3A_99, %dma_wait3A_100] : memref<10000x128xf32, #tpu.memory_space<hbm>> -> memref<10000x128xf32, #tpu.memory_space<hbm>>
      tpu.wait_indirect_dma semaphore(%arg17 : memref<!tpu.dma_semaphore, #tpu.memory_space<semaphore_mem>>) src(%dma_wait3A_101 : memref<10000x128xf32, #tpu.memory_space<hbm>>) dst(%arg13 : memref<120x128xf32, #tpu.memory_space<vmem>>)
      %dma_wait3A_102 = arith.constant 0 : i32
      %dma_wait3A_103 = tpu.memref_slice %arg4[%dma_wait3A_102] : memref<345600xi32, #tpu.memory_space<hbm>> -> memref<120xi32, #tpu.memory_space<hbm>>
      %dma_wait3A_104 = arith.constant 0 : i32
      %dma_wait3A_105 = tpu.memref_slice %arg4[%dma_wait3A_104] : memref<345600xi32, #tpu.memory_space<hbm>> -> memref<120xi32, #tpu.memory_space<hbm>>
      tpu.wait_dma2 semaphore(%arg27 : memref<!tpu.dma_semaphore, #tpu.memory_space<semaphore_mem>>) src(%dma_wait3A_105 : memref<120xi32, #tpu.memory_space<hbm>>) dst(%arg11 : memref<120xi32, #tpu.memory_space<vmem>>)
      %dma_wait3A_106 = arith.constant 0 : i32
      %dma_wait3A_107 = arith.constant 0 : i32
      %dma_wait3A_108 = tpu.memref_slice %arg2[%dma_wait3A_106, %dma_wait3A_107] : memref<10000x128xf32, #tpu.memory_space<hbm>> -> memref<10000x128xf32, #tpu.memory_space<hbm>>
      tpu.wait_indirect_dma semaphore(%arg18 : memref<!tpu.dma_semaphore, #tpu.memory_space<semaphore_mem>>) src(%dma_wait3A_108 : memref<10000x128xf32, #tpu.memory_space<hbm>>) dst(%arg14 : memref<120x128xf32, #tpu.memory_space<vmem>>)
      %dma_wait3A_109 = arith.constant 0 : i32
      %dma_wait3A_110 = tpu.memref_slice %arg4[%dma_wait3A_109] : memref<345600xi32, #tpu.memory_space<hbm>> -> memref<120xi32, #tpu.memory_space<hbm>>
      %dma_wait3A_111 = arith.constant 0 : i32
      %dma_wait3A_112 = tpu.memref_slice %arg4[%dma_wait3A_111] : memref<345600xi32, #tpu.memory_space<hbm>> -> memref<120xi32, #tpu.memory_space<hbm>>
      tpu.wait_dma2 semaphore(%arg28 : memref<!tpu.dma_semaphore, #tpu.memory_space<semaphore_mem>>) src(%dma_wait3A_112 : memref<120xi32, #tpu.memory_space<hbm>>) dst(%arg12 : memref<120xi32, #tpu.memory_space<vmem>>)
      %dma_wait3A_113 = arith.constant 0 : i32
      %dma_wait3A_114 = arith.constant 0 : i32
      %dma_wait3A_115 = tpu.memref_slice %arg2[%dma_wait3A_113, %dma_wait3A_114] : memref<10000x128xf32, #tpu.memory_space<hbm>> -> memref<10000x128xf32, #tpu.memory_space<hbm>>
      tpu.wait_indirect_dma semaphore(%arg19 : memref<!tpu.dma_semaphore, #tpu.memory_space<semaphore_mem>>) src(%dma_wait3A_115 : memref<10000x128xf32, #tpu.memory_space<hbm>>) dst(%arg15 : memref<120x128xf32, #tpu.memory_space<vmem>>)
      %dma_start3A_116 = arith.constant 0 : i32
      %dma_start3A_117 = arith.constant 0 : i32
      %dma_start3A_118 = tpu.memref_slice %arg16[%dma_start3A_116, %dma_start3A_117] : memref<10112x128xf32, #tpu.memory_space<vmem_shared>> -> memref<10112x128xf32, #tpu.memory_space<vmem_shared>>
      tpu.enqueue_indirect_dma source(%arg13 : memref<120x128xf32, #tpu.memory_space<vmem>>) target(%dma_start3A_118 : memref<10112x128xf32, #tpu.memory_space<vmem_shared>>) offsets(%arg10 : memref<120xi32, #tpu.memory_space<vmem>>) semaphore(%arg20 : memref<!tpu.dma_semaphore, #tpu.memory_space<semaphore_mem>>) {add = true}
      %dma_start3A_119 = arith.constant 0 : i32
      %dma_start3A_120 = arith.constant 0 : i32
      %dma_start3A_121 = tpu.memref_slice %arg16[%dma_start3A_119, %dma_start3A_120] : memref<10112x128xf32, #tpu.memory_space<vmem_shared>> -> memref<10112x128xf32, #tpu.memory_space<vmem_shared>>
      tpu.enqueue_indirect_dma source(%arg14 : memref<120x128xf32, #tpu.memory_space<vmem>>) target(%dma_start3A_121 : memref<10112x128xf32, #tpu.memory_space<vmem_shared>>) offsets(%arg11 : memref<120xi32, #tpu.memory_space<vmem>>) semaphore(%arg21 : memref<!tpu.dma_semaphore, #tpu.memory_space<semaphore_mem>>) {add = true}
      %dma_start3A_122 = arith.constant 0 : i32
      %dma_start3A_123 = arith.constant 0 : i32
      %dma_start3A_124 = tpu.memref_slice %arg16[%dma_start3A_122, %dma_start3A_123] : memref<10112x128xf32, #tpu.memory_space<vmem_shared>> -> memref<10112x128xf32, #tpu.memory_space<vmem_shared>>
      tpu.enqueue_indirect_dma source(%arg15 : memref<120x128xf32, #tpu.memory_space<vmem>>) target(%dma_start3A_124 : memref<10112x128xf32, #tpu.memory_space<vmem_shared>>) offsets(%arg12 : memref<120xi32, #tpu.memory_space<vmem>>) semaphore(%arg22 : memref<!tpu.dma_semaphore, #tpu.memory_space<semaphore_mem>>) {add = true}
      %dma_wait3A_125 = arith.constant 0 : i32
      %dma_wait3A_126 = arith.constant 0 : i32
      %dma_wait3A_127 = tpu.memref_slice %arg16[%dma_wait3A_125, %dma_wait3A_126] : memref<10112x128xf32, #tpu.memory_space<vmem_shared>> -> memref<10112x128xf32, #tpu.memory_space<vmem_shared>>
      tpu.wait_indirect_dma semaphore(%arg20 : memref<!tpu.dma_semaphore, #tpu.memory_space<semaphore_mem>>) src(%arg13 : memref<120x128xf32, #tpu.memory_space<vmem>>) dst(%dma_wait3A_127 : memref<10112x128xf32, #tpu.memory_space<vmem_shared>>)
      %add3A_128 = arith.constant 3 : i32
      %add3A_129 = arith.addi %mul3A_73, %add3A_128 : i32
      %add3A_130 = arith.constant 0 : i32
      %add3A_131 = arith.addi %add3A_129, %add3A_130 : i32
      %mul3A_132 = arith.constant 32 : i32
      %mul3A_133 = arith.muli %add3A_131, %mul3A_132 : i32
      %add3A_134 = arith.addi %mul3A_133, %add3A : i32
      %mul3A_135 = arith.constant 120 : i32
      %mul3A_136 = arith.muli %add3A_134, %mul3A_135 : i32
      %dma_start3A_137 = tpu.memref_slice %arg3[%mul3A_136] : memref<345600xi32, #tpu.memory_space<hbm>> -> memref<120xi32, #tpu.memory_space<hbm>>
      %dma_start3A_138 = tpu.memref_slice %arg3[%mul3A_136] : memref<345600xi32, #tpu.memory_space<hbm>> -> memref<120xi32, #tpu.memory_space<hbm>>
      tpu.enqueue_dma source(%dma_start3A_138 : memref<120xi32, #tpu.memory_space<hbm>>) target(%arg7 : memref<120xi32, #tpu.memory_space<vmem>>) target_semaphore(%arg23 : memref<!tpu.dma_semaphore, #tpu.memory_space<semaphore_mem>>)
      %mul3A_139 = arith.constant 32 : i32
      %mul3A_140 = arith.muli %add3A_131, %mul3A_139 : i32
      %add3A_141 = arith.addi %mul3A_140, %add3A : i32
      %mul3A_142 = arith.constant 120 : i32
      %mul3A_143 = arith.muli %add3A_141, %mul3A_142 : i32
      %dma_start3A_144 = tpu.memref_slice %arg4[%mul3A_143] : memref<345600xi32, #tpu.memory_space<hbm>> -> memref<120xi32, #tpu.memory_space<hbm>>
      %dma_start3A_145 = tpu.memref_slice %arg4[%mul3A_143] : memref<345600xi32, #tpu.memory_space<hbm>> -> memref<120xi32, #tpu.memory_space<hbm>>
      tpu.enqueue_dma source(%dma_start3A_145 : memref<120xi32, #tpu.memory_space<hbm>>) target(%arg10 : memref<120xi32, #tpu.memory_space<vmem>>) target_semaphore(%arg26 : memref<!tpu.dma_semaphore, #tpu.memory_space<semaphore_mem>>)
      %dma_wait3A_146 = arith.constant 0 : i32
      %dma_wait3A_147 = arith.constant 0 : i32
      %dma_wait3A_148 = tpu.memref_slice %arg16[%dma_wait3A_146, %dma_wait3A_147] : memref<10112x128xf32, #tpu.memory_space<vmem_shared>> -> memref<10112x128xf32, #tpu.memory_space<vmem_shared>>
      tpu.wait_indirect_dma semaphore(%arg21 : memref<!tpu.dma_semaphore, #tpu.memory_space<semaphore_mem>>) src(%arg14 : memref<120x128xf32, #tpu.memory_space<vmem>>) dst(%dma_wait3A_148 : memref<10112x128xf32, #tpu.memory_space<vmem_shared>>)
      %add3A_149 = arith.constant 3 : i32
      %add3A_150 = arith.addi %mul3A_73, %add3A_149 : i32
      %add3A_151 = arith.constant 1 : i32
      %add3A_152 = arith.addi %add3A_150, %add3A_151 : i32
      %mul3A_153 = arith.constant 32 : i32
      %mul3A_154 = arith.muli %add3A_152, %mul3A_153 : i32
      %add3A_155 = arith.addi %mul3A_154, %add3A : i32
      %mul3A_156 = arith.constant 120 : i32
      %mul3A_157 = arith.muli %add3A_155, %mul3A_156 : i32
      %dma_start3A_158 = tpu.memref_slice %arg3[%mul3A_157] : memref<345600xi32, #tpu.memory_space<hbm>> -> memref<120xi32, #tpu.memory_space<hbm>>
      %dma_start3A_159 = tpu.memref_slice %arg3[%mul3A_157] : memref<345600xi32, #tpu.memory_space<hbm>> -> memref<120xi32, #tpu.memory_space<hbm>>
      tpu.enqueue_dma source(%dma_start3A_159 : memref<120xi32, #tpu.memory_space<hbm>>) target(%arg8 : memref<120xi32, #tpu.memory_space<vmem>>) target_semaphore(%arg24 : memref<!tpu.dma_semaphore, #tpu.memory_space<semaphore_mem>>)
      %mul3A_160 = arith.constant 32 : i32
      %mul3A_161 = arith.muli %add3A_152, %mul3A_160 : i32
      %add3A_162 = arith.addi %mul3A_161, %add3A : i32
      %mul3A_163 = arith.constant 120 : i32
      %mul3A_164 = arith.muli %add3A_162, %mul3A_163 : i32
      %dma_start3A_165 = tpu.memref_slice %arg4[%mul3A_164] : memref<345600xi32, #tpu.memory_space<hbm>> -> memref<120xi32, #tpu.memory_space<hbm>>
      %dma_start3A_166 = tpu.memref_slice %arg4[%mul3A_164] : memref<345600xi32, #tpu.memory_space<hbm>> -> memref<120xi32, #tpu.memory_space<hbm>>
      tpu.enqueue_dma source(%dma_start3A_166 : memref<120xi32, #tpu.memory_space<hbm>>) target(%arg11 : memref<120xi32, #tpu.memory_space<vmem>>) target_semaphore(%arg27 : memref<!tpu.dma_semaphore, #tpu.memory_space<semaphore_mem>>)
      %dma_wait3A_167 = arith.constant 0 : i32
      %dma_wait3A_168 = arith.constant 0 : i32
      %dma_wait3A_169 = tpu.memref_slice %arg16[%dma_wait3A_167, %dma_wait3A_168] : memref<10112x128xf32, #tpu.memory_space<vmem_shared>> -> memref<10112x128xf32, #tpu.memory_space<vmem_shared>>
      tpu.wait_indirect_dma semaphore(%arg22 : memref<!tpu.dma_semaphore, #tpu.memory_space<semaphore_mem>>) src(%arg15 : memref<120x128xf32, #tpu.memory_space<vmem>>) dst(%dma_wait3A_169 : memref<10112x128xf32, #tpu.memory_space<vmem_shared>>)
      %add3A_170 = arith.constant 3 : i32
      %add3A_171 = arith.addi %mul3A_73, %add3A_170 : i32
      %add3A_172 = arith.constant 2 : i32
      %add3A_173 = arith.addi %add3A_171, %add3A_172 : i32
      %mul3A_174 = arith.constant 32 : i32
      %mul3A_175 = arith.muli %add3A_173, %mul3A_174 : i32
      %add3A_176 = arith.addi %mul3A_175, %add3A : i32
      %mul3A_177 = arith.constant 120 : i32
      %mul3A_178 = arith.muli %add3A_176, %mul3A_177 : i32
      %dma_start3A_179 = tpu.memref_slice %arg3[%mul3A_178] : memref<345600xi32, #tpu.memory_space<hbm>> -> memref<120xi32, #tpu.memory_space<hbm>>
      %dma_start3A_180 = tpu.memref_slice %arg3[%mul3A_178] : memref<345600xi32, #tpu.memory_space<hbm>> -> memref<120xi32, #tpu.memory_space<hbm>>
      tpu.enqueue_dma source(%dma_start3A_180 : memref<120xi32, #tpu.memory_space<hbm>>) target(%arg9 : memref<120xi32, #tpu.memory_space<vmem>>) target_semaphore(%arg25 : memref<!tpu.dma_semaphore, #tpu.memory_space<semaphore_mem>>)
      %mul3A_181 = arith.constant 32 : i32
      %mul3A_182 = arith.muli %add3A_173, %mul3A_181 : i32
      %add3A_183 = arith.addi %mul3A_182, %add3A : i32
      %mul3A_184 = arith.constant 120 : i32
      %mul3A_185 = arith.muli %add3A_183, %mul3A_184 : i32
      %dma_start3A_186 = tpu.memref_slice %arg4[%mul3A_185] : memref<345600xi32, #tpu.memory_space<hbm>> -> memref<120xi32, #tpu.memory_space<hbm>>
      %dma_start3A_187 = tpu.memref_slice %arg4[%mul3A_185] : memref<345600xi32, #tpu.memory_space<hbm>> -> memref<120xi32, #tpu.memory_space<hbm>>
      tpu.enqueue_dma source(%dma_start3A_187 : memref<120xi32, #tpu.memory_space<hbm>>) target(%arg12 : memref<120xi32, #tpu.memory_space<vmem>>) target_semaphore(%arg28 : memref<!tpu.dma_semaphore, #tpu.memory_space<semaphore_mem>>)
    }
    %scan3A_42 = arith.constant 28 : i32
    %dma_wait3A = arith.constant 0 : i32
    %dma_wait3A_43 = tpu.memref_slice %arg3[%dma_wait3A] : memref<345600xi32, #tpu.memory_space<hbm>> -> memref<120xi32, #tpu.memory_space<hbm>>
    %dma_wait3A_44 = arith.constant 0 : i32
    %dma_wait3A_45 = tpu.memref_slice %arg3[%dma_wait3A_44] : memref<345600xi32, #tpu.memory_space<hbm>> -> memref<120xi32, #tpu.memory_space<hbm>>
    tpu.wait_dma2 semaphore(%arg23 : memref<!tpu.dma_semaphore, #tpu.memory_space<semaphore_mem>>) src(%dma_wait3A_45 : memref<120xi32, #tpu.memory_space<hbm>>) dst(%arg7 : memref<120xi32, #tpu.memory_space<vmem>>)
    %dma_wait3A_46 = arith.constant 0 : i32
    %dma_wait3A_47 = tpu.memref_slice %arg4[%dma_wait3A_46] : memref<345600xi32, #tpu.memory_space<hbm>> -> memref<120xi32, #tpu.memory_space<hbm>>
    %dma_wait3A_48 = arith.constant 0 : i32
    %dma_wait3A_49 = tpu.memref_slice %arg4[%dma_wait3A_48] : memref<345600xi32, #tpu.memory_space<hbm>> -> memref<120xi32, #tpu.memory_space<hbm>>
    tpu.wait_dma2 semaphore(%arg26 : memref<!tpu.dma_semaphore, #tpu.memory_space<semaphore_mem>>) src(%dma_wait3A_49 : memref<120xi32, #tpu.memory_space<hbm>>) dst(%arg10 : memref<120xi32, #tpu.memory_space<vmem>>)
    %dma_wait3A_50 = arith.constant 0 : i32
    %dma_wait3A_51 = tpu.memref_slice %arg3[%dma_wait3A_50] : memref<345600xi32, #tpu.memory_space<hbm>> -> memref<120xi32, #tpu.memory_space<hbm>>
    %dma_wait3A_52 = arith.constant 0 : i32
    %dma_wait3A_53 = tpu.memref_slice %arg3[%dma_wait3A_52] : memref<345600xi32, #tpu.memory_space<hbm>> -> memref<120xi32, #tpu.memory_space<hbm>>
    tpu.wait_dma2 semaphore(%arg24 : memref<!tpu.dma_semaphore, #tpu.memory_space<semaphore_mem>>) src(%dma_wait3A_53 : memref<120xi32, #tpu.memory_space<hbm>>) dst(%arg8 : memref<120xi32, #tpu.memory_space<vmem>>)
    %dma_wait3A_54 = arith.constant 0 : i32
    %dma_wait3A_55 = tpu.memref_slice %arg4[%dma_wait3A_54] : memref<345600xi32, #tpu.memory_space<hbm>> -> memref<120xi32, #tpu.memory_space<hbm>>
    %dma_wait3A_56 = arith.constant 0 : i32
    %dma_wait3A_57 = tpu.memref_slice %arg4[%dma_wait3A_56] : memref<345600xi32, #tpu.memory_space<hbm>> -> memref<120xi32, #tpu.memory_space<hbm>>
    tpu.wait_dma2 semaphore(%arg27 : memref<!tpu.dma_semaphore, #tpu.memory_space<semaphore_mem>>) src(%dma_wait3A_57 : memref<120xi32, #tpu.memory_space<hbm>>) dst(%arg11 : memref<120xi32, #tpu.memory_space<vmem>>)
    %dma_wait3A_58 = arith.constant 0 : i32
    %dma_wait3A_59 = tpu.memref_slice %arg3[%dma_wait3A_58] : memref<345600xi32, #tpu.memory_space<hbm>> -> memref<120xi32, #tpu.memory_space<hbm>>
    %dma_wait3A_60 = arith.constant 0 : i32
    %dma_wait3A_61 = tpu.memref_slice %arg3[%dma_wait3A_60] : memref<345600xi32, #tpu.memory_space<hbm>> -> memref<120xi32, #tpu.memory_space<hbm>>
    tpu.wait_dma2 semaphore(%arg25 : memref<!tpu.dma_semaphore, #tpu.memory_space<semaphore_mem>>) src(%dma_wait3A_61 : memref<120xi32, #tpu.memory_space<hbm>>) dst(%arg9 : memref<120xi32, #tpu.memory_space<vmem>>)
    %dma_wait3A_62 = arith.constant 0 : i32
    %dma_wait3A_63 = tpu.memref_slice %arg4[%dma_wait3A_62] : memref<345600xi32, #tpu.memory_space<hbm>> -> memref<120xi32, #tpu.memory_space<hbm>>
    %dma_wait3A_64 = arith.constant 0 : i32
    %dma_wait3A_65 = tpu.memref_slice %arg4[%dma_wait3A_64] : memref<345600xi32, #tpu.memory_space<hbm>> -> memref<120xi32, #tpu.memory_space<hbm>>
    tpu.wait_dma2 semaphore(%arg28 : memref<!tpu.dma_semaphore, #tpu.memory_space<semaphore_mem>>) src(%dma_wait3A_65 : memref<120xi32, #tpu.memory_space<hbm>>) dst(%arg12 : memref<120xi32, #tpu.memory_space<vmem>>)
    %barrier3A_66 = arith.constant 0 : index
    tpu.barrier barrier_id(%barrier3A_66)
    %mul3A_67 = arith.constant 632 : i32
    %mul3A_68 = arith.muli %arg1, %mul3A_67 : i32
    %mul3A_69 = arith.constant 632 : i32
    %mul3A_70 = arith.muli %arg1, %mul3A_69 : i32
    "tpu.region"() ({
      %run_scoped3A = tpu.sem_alloc : memref<!tpu.dma_semaphore, #tpu.memory_space<semaphore_mem>>
      %dma_start3A_71 = arith.constant 0 : i32
      %dma_start3A_72 = tpu.memref_slice %arg6[%arg0, %mul3A_70, %dma_start3A_71] : memref<2x10112x128xf32, #tpu.memory_space<hbm>> -> memref<1x632x128xf32, #tpu.memory_space<hbm>>
      %dma_start3A_73 = tpu.memref_squeeze %dma_start3A_72 : memref<1x632x128xf32, #tpu.memory_space<hbm>> -> memref<632x128xf32, #tpu.memory_space<hbm>>
      %dma_start3A_74 = arith.constant 0 : i32
      %dma_start3A_75 = tpu.memref_slice %arg16[%mul3A_68, %dma_start3A_74] : memref<10112x128xf32, #tpu.memory_space<vmem_shared>> -> memref<632x128xf32, #tpu.memory_space<vmem_shared>>
      tpu.enqueue_dma source(%dma_start3A_75 : memref<632x128xf32, #tpu.memory_space<vmem_shared>>) target(%dma_start3A_73 : memref<632x128xf32, #tpu.memory_space<hbm>>) target_semaphore(%run_scoped3A : memref<!tpu.dma_semaphore, #tpu.memory_space<semaphore_mem>>)
      %dma_wait3A_76 = arith.constant 0 : i32
      %dma_wait3A_77 = tpu.memref_slice %arg6[%arg0, %mul3A_70, %dma_wait3A_76] : memref<2x10112x128xf32, #tpu.memory_space<hbm>> -> memref<1x632x128xf32, #tpu.memory_space<hbm>>
      %dma_wait3A_78 = tpu.memref_squeeze %dma_wait3A_77 : memref<1x632x128xf32, #tpu.memory_space<hbm>> -> memref<632x128xf32, #tpu.memory_space<hbm>>
      %dma_wait3A_79 = arith.constant 0 : i32
      %dma_wait3A_80 = tpu.memref_slice %arg16[%mul3A_68, %dma_wait3A_79] : memref<10112x128xf32, #tpu.memory_space<vmem_shared>> -> memref<632x128xf32, #tpu.memory_space<vmem_shared>>
      tpu.wait_dma2 semaphore(%run_scoped3A : memref<!tpu.dma_semaphore, #tpu.memory_space<semaphore_mem>>) src(%dma_wait3A_80 : memref<632x128xf32, #tpu.memory_space<vmem_shared>>) dst(%dma_wait3A_78 : memref<632x128xf32, #tpu.memory_space<hbm>>)
      tpu.yield
    }) : () -> ()
    return
  }
}

module attributes {stable_mosaic.version = 14 : i64} {
  func.func @_relu_body(%arg0: memref<10000x128xf32, #tpu.memory_space<vmem>>, %arg1: memref<10000x128xf32, #tpu.memory_space<vmem>>) attributes {dimension_semantics = [], scalar_prefetch = 0 : i64, scratch_operands = 0 : i64, tpu.core_type = #tpu.core_type<tc>} {
    %get3A = arith.constant 0 : index
    %get3A_0 = arith.constant 0 : index
    %get3A_1 = vector.load %arg0[%get3A, %get3A_0] : memref<10000x128xf32, #tpu.memory_space<vmem>>, vector<10000x128xf32>
    %max3A = arith.constant 0.000000e+00 : f32
    %max3A_2 = vector.broadcast %max3A : f32 to vector<10000x128xf32>
    %max3A_3 = arith.maximumf %get3A_1, %max3A_2 : vector<10000x128xf32>
    %swap3A = arith.constant 0 : index
    %swap3A_4 = arith.constant 0 : index
    %swap3A_5 = vector.load %arg1[%swap3A, %swap3A_4] : memref<10000x128xf32, #tpu.memory_space<vmem>>, vector<10000x128xf32>
    tpu.vector_store %arg1[%swap3A, %swap3A_4], %max3A_3 {strides = array<i32>} : memref<10000x128xf32, #tpu.memory_space<vmem>>, vector<10000x128xf32>,
    return
  }
}

module attributes {stable_mosaic.version = 14 : i64} {
  func.func @_dense_body(%arg0: memref<10000x128xf32, #tpu.memory_space<vmem>>, %arg1: memref<2x10112x128xf32, #tpu.memory_space<vmem>>, %arg2: memref<128x128xf32, #tpu.memory_space<vmem>>, %arg3: memref<1x128xf32, #tpu.memory_space<vmem>>, %arg4: memref<1x128xf32, #tpu.memory_space<vmem>>, %arg5: memref<1x128xf32, #tpu.memory_space<vmem>>, %arg6: memref<128x128xf32, #tpu.memory_space<vmem>>, %arg7: memref<1x128xf32, #tpu.memory_space<vmem>>, %arg8: memref<1x128xf32, #tpu.memory_space<vmem>>, %arg9: memref<1x128xf32, #tpu.memory_space<vmem>>, %arg10: memref<1x1xf32, #tpu.memory_space<vmem>>, %arg11: memref<10000x128xf32, #tpu.memory_space<vmem>>) attributes {dimension_semantics = [], scalar_prefetch = 0 : i64, scratch_operands = 0 : i64, tpu.core_type = #tpu.core_type<tc>} {
    %get3A = arith.constant 0 : index
    %get3A_0 = arith.constant 0 : index
    %get3A_1 = vector.load %arg10[%get3A, %get3A_0] : memref<1x1xf32, #tpu.memory_space<vmem>>, vector<1x1xf32>
    %get3A_2 = vector.extract %get3A_1[0, 0] : f32 from vector<1x1xf32>
    %add3A = arith.constant 1.000000e+00 : f32
    %add3A_3 = arith.addf %add3A, %get3A_2 : f32
    %get3A_4 = arith.constant 0 : index
    %get3A_5 = arith.constant 0 : index
    %get3A_6 = vector.load %arg0[%get3A_4, %get3A_5] : memref<10000x128xf32, #tpu.memory_space<vmem>>, vector<10000x128xf32>
    %mul3A = vector.broadcast %add3A_3 : f32 to vector<10000x128xf32>
    %mul3A_7 = arith.mulf %mul3A, %get3A_6 : vector<10000x128xf32>
    %get3A_8 = arith.constant 0 : index
    %get3A_9 = arith.constant 0 : index
    %get3A_10 = arith.constant 0 : index
    %get3A_11 = vector.load %arg1[%get3A_8, %get3A_9, %get3A_10] : memref<2x10112x128xf32, #tpu.memory_space<vmem>>, vector<1x10000x128xf32>
    %get3A_12 = vector.shape_cast %get3A_11 : vector<1x10000x128xf32> to vector<10000x128xf32>
    %add3A_13 = arith.addf %mul3A_7, %get3A_12 : vector<10000x128xf32>
    %get3A_14 = arith.constant 1 : index
    %get3A_15 = arith.constant 0 : index
    %get3A_16 = arith.constant 0 : index
    %get3A_17 = vector.load %arg1[%get3A_14, %get3A_15, %get3A_16] : memref<2x10112x128xf32, #tpu.memory_space<vmem>>, vector<1x10000x128xf32>
    %get3A_18 = vector.shape_cast %get3A_17 : vector<1x10000x128xf32> to vector<10000x128xf32>
    %add3A_19 = arith.addf %add3A_13, %get3A_18 : vector<10000x128xf32>
    %get3A_20 = arith.constant 0 : index
    %get3A_21 = arith.constant 0 : index
    %get3A_22 = vector.load %arg2[%get3A_20, %get3A_21] : memref<128x128xf32, #tpu.memory_space<vmem>>, vector<128x128xf32>
    %dot_general3A = arith.constant dense<0.000000e+00> : vector<10000x128xf32>
    %dot_general3A_23 = tpu.matmul %add3A_19, %get3A_22, %dot_general3A {dimension_numbers = #tpu.dot_dimension_numbers<[1], [1], [0], [0], [0, 0, 1, 0], [], []>, transpose_lhs_hint = false} : vector<10000x128xf32>, vector<128x128xf32>, vector<10000x128xf32> -> vector<10000x128xf32>
    %get3A_24 = arith.constant 0 : index
    %get3A_25 = arith.constant 0 : index
    %get3A_26 = vector.load %arg3[%get3A_24, %get3A_25] : memref<1x128xf32, #tpu.memory_space<vmem>>, vector<1x128xf32>
    %add3A_27 = vector.broadcast %get3A_26 : vector<1x128xf32> to vector<10000x128xf32>
    %add3A_28 = arith.addf %dot_general3A_23, %add3A_27 : vector<10000x128xf32>
    %reduce_sum3A = arith.constant dense<0.000000e+00> : vector<128xf32>
    %reduce_sum3A_29 = vector.multi_reduction <add>, %add3A_28, %reduce_sum3A [0] : vector<10000x128xf32> to vector<128xf32>
    %broadcast_in_dim3A = vector.shape_cast %reduce_sum3A_29 : vector<128xf32> to vector<1x128xf32>
    %div3A = arith.constant 1.000000e+04 : f32
    %div3A_30 = vector.broadcast %div3A : f32 to vector<1x128xf32>
    %div3A_31 = arith.divf %broadcast_in_dim3A, %div3A_30 : vector<1x128xf32>
    %sub3A = vector.broadcast %div3A_31 : vector<1x128xf32> to vector<10000x128xf32>
    %sub3A_32 = arith.subf %add3A_28, %sub3A : vector<10000x128xf32>
    %integer_pow3A = arith.mulf %sub3A_32, %sub3A_32 : vector<10000x128xf32>
    %reduce_sum3A_33 = arith.constant dense<0.000000e+00> : vector<128xf32>
    %reduce_sum3A_34 = vector.multi_reduction <add>, %integer_pow3A, %reduce_sum3A_33 [0] : vector<10000x128xf32> to vector<128xf32>
    %broadcast_in_dim3A_35 = vector.shape_cast %reduce_sum3A_34 : vector<128xf32> to vector<1x128xf32>
    %div3A_36 = arith.constant 1.000000e+04 : f32
    %div3A_37 = vector.broadcast %div3A_36 : f32 to vector<1x128xf32>
    %div3A_38 = arith.divf %broadcast_in_dim3A_35, %div3A_37 : vector<1x128xf32>
    %sub3A_39 = vector.broadcast %div3A_31 : vector<1x128xf32> to vector<10000x128xf32>
    %sub3A_40 = arith.subf %add3A_28, %sub3A_39 : vector<10000x128xf32>
    %add3A_41 = arith.constant 9.99999974E-6 : f32
    %add3A_42 = vector.broadcast %add3A_41 : f32 to vector<1x128xf32>
    %add3A_43 = arith.addf %div3A_38, %add3A_42 : vector<1x128xf32>
    %rsqrt3A = math.rsqrt %add3A_43 : vector<1x128xf32>
    %mul3A_44 = vector.broadcast %rsqrt3A : vector<1x128xf32> to vector<10000x128xf32>
    %mul3A_45 = arith.mulf %sub3A_40, %mul3A_44 : vector<10000x128xf32>
    %get3A_46 = arith.constant 0 : index
    %get3A_47 = arith.constant 0 : index
    %get3A_48 = vector.load %arg4[%get3A_46, %get3A_47] : memref<1x128xf32, #tpu.memory_space<vmem>>, vector<1x128xf32>
    %mul3A_49 = vector.broadcast %get3A_48 : vector<1x128xf32> to vector<10000x128xf32>
    %mul3A_50 = arith.mulf %mul3A_45, %mul3A_49 : vector<10000x128xf32>
    %get3A_51 = arith.constant 0 : index
    %get3A_52 = arith.constant 0 : index
    %get3A_53 = vector.load %arg5[%get3A_51, %get3A_52] : memref<1x128xf32, #tpu.memory_space<vmem>>, vector<1x128xf32>
    %add3A_54 = vector.broadcast %get3A_53 : vector<1x128xf32> to vector<10000x128xf32>
    %add3A_55 = arith.addf %mul3A_50, %add3A_54 : vector<10000x128xf32>
    %max3A = arith.constant 0.000000e+00 : f32
    %max3A_56 = vector.broadcast %max3A : f32 to vector<10000x128xf32>
    %max3A_57 = arith.maximumf %add3A_55, %max3A_56 : vector<10000x128xf32>
    %get3A_58 = arith.constant 0 : index
    %get3A_59 = arith.constant 0 : index
    %get3A_60 = vector.load %arg6[%get3A_58, %get3A_59] : memref<128x128xf32, #tpu.memory_space<vmem>>, vector<128x128xf32>
    %dot_general3A_61 = arith.constant dense<0.000000e+00> : vector<10000x128xf32>
    %dot_general3A_62 = tpu.matmul %max3A_57, %get3A_60, %dot_general3A_61 {dimension_numbers = #tpu.dot_dimension_numbers<[1], [1], [0], [0], [0, 0, 1, 0], [], []>, transpose_lhs_hint = false} : vector<10000x128xf32>, vector<128x128xf32>, vector<10000x128xf32> -> vector<10000x128xf32>
    %get3A_63 = arith.constant 0 : index
    %get3A_64 = arith.constant 0 : index
    %get3A_65 = vector.load %arg7[%get3A_63, %get3A_64] : memref<1x128xf32, #tpu.memory_space<vmem>>, vector<1x128xf32>
    %add3A_66 = vector.broadcast %get3A_65 : vector<1x128xf32> to vector<10000x128xf32>
    %add3A_67 = arith.addf %dot_general3A_62, %add3A_66 : vector<10000x128xf32>
    %reduce_sum3A_68 = arith.constant dense<0.000000e+00> : vector<128xf32>
    %reduce_sum3A_69 = vector.multi_reduction <add>, %add3A_67, %reduce_sum3A_68 [0] : vector<10000x128xf32> to vector<128xf32>
    %broadcast_in_dim3A_70 = vector.shape_cast %reduce_sum3A_69 : vector<128xf32> to vector<1x128xf32>
    %div3A_71 = arith.constant 1.000000e+04 : f32
    %div3A_72 = vector.broadcast %div3A_71 : f32 to vector<1x128xf32>
    %div3A_73 = arith.divf %broadcast_in_dim3A_70, %div3A_72 : vector<1x128xf32>
    %sub3A_74 = vector.broadcast %div3A_73 : vector<1x128xf32> to vector<10000x128xf32>
    %sub3A_75 = arith.subf %add3A_67, %sub3A_74 : vector<10000x128xf32>
    %integer_pow3A_76 = arith.mulf %sub3A_75, %sub3A_75 : vector<10000x128xf32>
    %reduce_sum3A_77 = arith.constant dense<0.000000e+00> : vector<128xf32>
    %reduce_sum3A_78 = vector.multi_reduction <add>, %integer_pow3A_76, %reduce_sum3A_77 [0] : vector<10000x128xf32> to vector<128xf32>
    %broadcast_in_dim3A_79 = vector.shape_cast %reduce_sum3A_78 : vector<128xf32> to vector<1x128xf32>
    %div3A_80 = arith.constant 1.000000e+04 : f32
    %div3A_81 = vector.broadcast %div3A_80 : f32 to vector<1x128xf32>
    %div3A_82 = arith.divf %broadcast_in_dim3A_79, %div3A_81 : vector<1x128xf32>
    %sub3A_83 = vector.broadcast %div3A_73 : vector<1x128xf32> to vector<10000x128xf32>
    %sub3A_84 = arith.subf %add3A_67, %sub3A_83 : vector<10000x128xf32>
    %add3A_85 = arith.constant 9.99999974E-6 : f32
    %add3A_86 = vector.broadcast %add3A_85 : f32 to vector<1x128xf32>
    %add3A_87 = arith.addf %div3A_82, %add3A_86 : vector<1x128xf32>
    %rsqrt3A_88 = math.rsqrt %add3A_87 : vector<1x128xf32>
    %mul3A_89 = vector.broadcast %rsqrt3A_88 : vector<1x128xf32> to vector<10000x128xf32>
    %mul3A_90 = arith.mulf %sub3A_84, %mul3A_89 : vector<10000x128xf32>
    %get3A_91 = arith.constant 0 : index
    %get3A_92 = arith.constant 0 : index
    %get3A_93 = vector.load %arg8[%get3A_91, %get3A_92] : memref<1x128xf32, #tpu.memory_space<vmem>>, vector<1x128xf32>
    %mul3A_94 = vector.broadcast %get3A_93 : vector<1x128xf32> to vector<10000x128xf32>
    %mul3A_95 = arith.mulf %mul3A_90, %mul3A_94 : vector<10000x128xf32>
    %get3A_96 = arith.constant 0 : index
    %get3A_97 = arith.constant 0 : index
    %get3A_98 = vector.load %arg9[%get3A_96, %get3A_97] : memref<1x128xf32, #tpu.memory_space<vmem>>, vector<1x128xf32>
    %add3A_99 = vector.broadcast %get3A_98 : vector<1x128xf32> to vector<10000x128xf32>
    %add3A_100 = arith.addf %mul3A_95, %add3A_99 : vector<10000x128xf32>
    %max3A_101 = arith.constant 0.000000e+00 : f32
    %max3A_102 = vector.broadcast %max3A_101 : f32 to vector<10000x128xf32>
    %max3A_103 = arith.maximumf %add3A_100, %max3A_102 : vector<10000x128xf32>
    %swap3A = arith.constant 0 : index
    %swap3A_104 = arith.constant 0 : index
    %swap3A_105 = vector.load %arg11[%swap3A, %swap3A_104] : memref<10000x128xf32, #tpu.memory_space<vmem>>, vector<10000x128xf32>
    tpu.vector_store %arg11[%swap3A, %swap3A_104], %max3A_103 {strides = array<i32>} : memref<10000x128xf32, #tpu.memory_space<vmem>>, vector<10000x128xf32>,
    return
  }
}

module attributes {stable_mosaic.version = 14 : i64} {
  func.func @_dense_body(%arg0: memref<10000x128xf32, #tpu.memory_space<vmem>>, %arg1: memref<2x10112x128xf32, #tpu.memory_space<vmem>>, %arg2: memref<128x128xf32, #tpu.memory_space<vmem>>, %arg3: memref<1x128xf32, #tpu.memory_space<vmem>>, %arg4: memref<1x128xf32, #tpu.memory_space<vmem>>, %arg5: memref<1x128xf32, #tpu.memory_space<vmem>>, %arg6: memref<128x128xf32, #tpu.memory_space<vmem>>, %arg7: memref<1x128xf32, #tpu.memory_space<vmem>>, %arg8: memref<1x128xf32, #tpu.memory_space<vmem>>, %arg9: memref<1x128xf32, #tpu.memory_space<vmem>>, %arg10: memref<1x1xf32, #tpu.memory_space<vmem>>, %arg11: memref<10000x128xf32, #tpu.memory_space<vmem>>) attributes {dimension_semantics = [], scalar_prefetch = 0 : i64, scratch_operands = 0 : i64, tpu.core_type = #tpu.core_type<tc>} {
    %get3A = arith.constant 0 : index
    %get3A_0 = arith.constant 0 : index
    %get3A_1 = vector.load %arg10[%get3A, %get3A_0] : memref<1x1xf32, #tpu.memory_space<vmem>>, vector<1x1xf32>
    %get3A_2 = vector.extract %get3A_1[0, 0] : f32 from vector<1x1xf32>
    %add3A = arith.constant 1.000000e+00 : f32
    %add3A_3 = arith.addf %add3A, %get3A_2 : f32
    %get3A_4 = arith.constant 0 : index
    %get3A_5 = arith.constant 0 : index
    %get3A_6 = vector.load %arg0[%get3A_4, %get3A_5] : memref<10000x128xf32, #tpu.memory_space<vmem>>, vector<10000x128xf32>
    %mul3A = vector.broadcast %add3A_3 : f32 to vector<10000x128xf32>
    %mul3A_7 = arith.mulf %mul3A, %get3A_6 : vector<10000x128xf32>
    %get3A_8 = arith.constant 0 : index
    %get3A_9 = arith.constant 0 : index
    %get3A_10 = arith.constant 0 : index
    %get3A_11 = vector.load %arg1[%get3A_8, %get3A_9, %get3A_10] : memref<2x10112x128xf32, #tpu.memory_space<vmem>>, vector<1x10000x128xf32>
    %get3A_12 = vector.shape_cast %get3A_11 : vector<1x10000x128xf32> to vector<10000x128xf32>
    %add3A_13 = arith.addf %mul3A_7, %get3A_12 : vector<10000x128xf32>
    %get3A_14 = arith.constant 1 : index
    %get3A_15 = arith.constant 0 : index
    %get3A_16 = arith.constant 0 : index
    %get3A_17 = vector.load %arg1[%get3A_14, %get3A_15, %get3A_16] : memref<2x10112x128xf32, #tpu.memory_space<vmem>>, vector<1x10000x128xf32>
    %get3A_18 = vector.shape_cast %get3A_17 : vector<1x10000x128xf32> to vector<10000x128xf32>
    %add3A_19 = arith.addf %add3A_13, %get3A_18 : vector<10000x128xf32>
    %get3A_20 = arith.constant 0 : index
    %get3A_21 = arith.constant 0 : index
    %get3A_22 = vector.load %arg2[%get3A_20, %get3A_21] : memref<128x128xf32, #tpu.memory_space<vmem>>, vector<128x128xf32>
    %dot_general3A = arith.constant dense<0.000000e+00> : vector<10000x128xf32>
    %dot_general3A_23 = tpu.matmul %add3A_19, %get3A_22, %dot_general3A {dimension_numbers = #tpu.dot_dimension_numbers<[1], [1], [0], [0], [0, 0, 1, 0], [], []>, transpose_lhs_hint = false} : vector<10000x128xf32>, vector<128x128xf32>, vector<10000x128xf32> -> vector<10000x128xf32>
    %get3A_24 = arith.constant 0 : index
    %get3A_25 = arith.constant 0 : index
    %get3A_26 = vector.load %arg3[%get3A_24, %get3A_25] : memref<1x128xf32, #tpu.memory_space<vmem>>, vector<1x128xf32>
    %add3A_27 = vector.broadcast %get3A_26 : vector<1x128xf32> to vector<10000x128xf32>
    %add3A_28 = arith.addf %dot_general3A_23, %add3A_27 : vector<10000x128xf32>
    %reduce_sum3A = arith.constant dense<0.000000e+00> : vector<128xf32>
    %reduce_sum3A_29 = vector.multi_reduction <add>, %add3A_28, %reduce_sum3A [0] : vector<10000x128xf32> to vector<128xf32>
    %broadcast_in_dim3A = vector.shape_cast %reduce_sum3A_29 : vector<128xf32> to vector<1x128xf32>
    %div3A = arith.constant 1.000000e+04 : f32
    %div3A_30 = vector.broadcast %div3A : f32 to vector<1x128xf32>
    %div3A_31 = arith.divf %broadcast_in_dim3A, %div3A_30 : vector<1x128xf32>
    %sub3A = vector.broadcast %div3A_31 : vector<1x128xf32> to vector<10000x128xf32>
    %sub3A_32 = arith.subf %add3A_28, %sub3A : vector<10000x128xf32>
    %integer_pow3A = arith.mulf %sub3A_32, %sub3A_32 : vector<10000x128xf32>
    %reduce_sum3A_33 = arith.constant dense<0.000000e+00> : vector<128xf32>
    %reduce_sum3A_34 = vector.multi_reduction <add>, %integer_pow3A, %reduce_sum3A_33 [0] : vector<10000x128xf32> to vector<128xf32>
    %broadcast_in_dim3A_35 = vector.shape_cast %reduce_sum3A_34 : vector<128xf32> to vector<1x128xf32>
    %div3A_36 = arith.constant 1.000000e+04 : f32
    %div3A_37 = vector.broadcast %div3A_36 : f32 to vector<1x128xf32>
    %div3A_38 = arith.divf %broadcast_in_dim3A_35, %div3A_37 : vector<1x128xf32>
    %sub3A_39 = vector.broadcast %div3A_31 : vector<1x128xf32> to vector<10000x128xf32>
    %sub3A_40 = arith.subf %add3A_28, %sub3A_39 : vector<10000x128xf32>
    %add3A_41 = arith.constant 9.99999974E-6 : f32
    %add3A_42 = vector.broadcast %add3A_41 : f32 to vector<1x128xf32>
    %add3A_43 = arith.addf %div3A_38, %add3A_42 : vector<1x128xf32>
    %rsqrt3A = math.rsqrt %add3A_43 : vector<1x128xf32>
    %mul3A_44 = vector.broadcast %rsqrt3A : vector<1x128xf32> to vector<10000x128xf32>
    %mul3A_45 = arith.mulf %sub3A_40, %mul3A_44 : vector<10000x128xf32>
    %get3A_46 = arith.constant 0 : index
    %get3A_47 = arith.constant 0 : index
    %get3A_48 = vector.load %arg4[%get3A_46, %get3A_47] : memref<1x128xf32, #tpu.memory_space<vmem>>, vector<1x128xf32>
    %mul3A_49 = vector.broadcast %get3A_48 : vector<1x128xf32> to vector<10000x128xf32>
    %mul3A_50 = arith.mulf %mul3A_45, %mul3A_49 : vector<10000x128xf32>
    %get3A_51 = arith.constant 0 : index
    %get3A_52 = arith.constant 0 : index
    %get3A_53 = vector.load %arg5[%get3A_51, %get3A_52] : memref<1x128xf32, #tpu.memory_space<vmem>>, vector<1x128xf32>
    %add3A_54 = vector.broadcast %get3A_53 : vector<1x128xf32> to vector<10000x128xf32>
    %add3A_55 = arith.addf %mul3A_50, %add3A_54 : vector<10000x128xf32>
    %max3A = arith.constant 0.000000e+00 : f32
    %max3A_56 = vector.broadcast %max3A : f32 to vector<10000x128xf32>
    %max3A_57 = arith.maximumf %add3A_55, %max3A_56 : vector<10000x128xf32>
    %get3A_58 = arith.constant 0 : index
    %get3A_59 = arith.constant 0 : index
    %get3A_60 = vector.load %arg6[%get3A_58, %get3A_59] : memref<128x128xf32, #tpu.memory_space<vmem>>, vector<128x128xf32>
    %dot_general3A_61 = arith.constant dense<0.000000e+00> : vector<10000x128xf32>
    %dot_general3A_62 = tpu.matmul %max3A_57, %get3A_60, %dot_general3A_61 {dimension_numbers = #tpu.dot_dimension_numbers<[1], [1], [0], [0], [0, 0, 1, 0], [], []>, transpose_lhs_hint = false} : vector<10000x128xf32>, vector<128x128xf32>, vector<10000x128xf32> -> vector<10000x128xf32>
    %get3A_63 = arith.constant 0 : index
    %get3A_64 = arith.constant 0 : index
    %get3A_65 = vector.load %arg7[%get3A_63, %get3A_64] : memref<1x128xf32, #tpu.memory_space<vmem>>, vector<1x128xf32>
    %add3A_66 = vector.broadcast %get3A_65 : vector<1x128xf32> to vector<10000x128xf32>
    %add3A_67 = arith.addf %dot_general3A_62, %add3A_66 : vector<10000x128xf32>
    %reduce_sum3A_68 = arith.constant dense<0.000000e+00> : vector<128xf32>
    %reduce_sum3A_69 = vector.multi_reduction <add>, %add3A_67, %reduce_sum3A_68 [0] : vector<10000x128xf32> to vector<128xf32>
    %broadcast_in_dim3A_70 = vector.shape_cast %reduce_sum3A_69 : vector<128xf32> to vector<1x128xf32>
    %div3A_71 = arith.constant 1.000000e+04 : f32
    %div3A_72 = vector.broadcast %div3A_71 : f32 to vector<1x128xf32>
    %div3A_73 = arith.divf %broadcast_in_dim3A_70, %div3A_72 : vector<1x128xf32>
    %sub3A_74 = vector.broadcast %div3A_73 : vector<1x128xf32> to vector<10000x128xf32>
    %sub3A_75 = arith.subf %add3A_67, %sub3A_74 : vector<10000x128xf32>
    %integer_pow3A_76 = arith.mulf %sub3A_75, %sub3A_75 : vector<10000x128xf32>
    %reduce_sum3A_77 = arith.constant dense<0.000000e+00> : vector<128xf32>
    %reduce_sum3A_78 = vector.multi_reduction <add>, %integer_pow3A_76, %reduce_sum3A_77 [0] : vector<10000x128xf32> to vector<128xf32>
    %broadcast_in_dim3A_79 = vector.shape_cast %reduce_sum3A_78 : vector<128xf32> to vector<1x128xf32>
    %div3A_80 = arith.constant 1.000000e+04 : f32
    %div3A_81 = vector.broadcast %div3A_80 : f32 to vector<1x128xf32>
    %div3A_82 = arith.divf %broadcast_in_dim3A_79, %div3A_81 : vector<1x128xf32>
    %sub3A_83 = vector.broadcast %div3A_73 : vector<1x128xf32> to vector<10000x128xf32>
    %sub3A_84 = arith.subf %add3A_67, %sub3A_83 : vector<10000x128xf32>
    %add3A_85 = arith.constant 9.99999974E-6 : f32
    %add3A_86 = vector.broadcast %add3A_85 : f32 to vector<1x128xf32>
    %add3A_87 = arith.addf %div3A_82, %add3A_86 : vector<1x128xf32>
    %rsqrt3A_88 = math.rsqrt %add3A_87 : vector<1x128xf32>
    %mul3A_89 = vector.broadcast %rsqrt3A_88 : vector<1x128xf32> to vector<10000x128xf32>
    %mul3A_90 = arith.mulf %sub3A_84, %mul3A_89 : vector<10000x128xf32>
    %get3A_91 = arith.constant 0 : index
    %get3A_92 = arith.constant 0 : index
    %get3A_93 = vector.load %arg8[%get3A_91, %get3A_92] : memref<1x128xf32, #tpu.memory_space<vmem>>, vector<1x128xf32>
    %mul3A_94 = vector.broadcast %get3A_93 : vector<1x128xf32> to vector<10000x128xf32>
    %mul3A_95 = arith.mulf %mul3A_90, %mul3A_94 : vector<10000x128xf32>
    %get3A_96 = arith.constant 0 : index
    %get3A_97 = arith.constant 0 : index
    %get3A_98 = vector.load %arg9[%get3A_96, %get3A_97] : memref<1x128xf32, #tpu.memory_space<vmem>>, vector<1x128xf32>
    %add3A_99 = vector.broadcast %get3A_98 : vector<1x128xf32> to vector<10000x128xf32>
    %add3A_100 = arith.addf %mul3A_95, %add3A_99 : vector<10000x128xf32>
    %swap3A = arith.constant 0 : index
    %swap3A_101 = arith.constant 0 : index
    %swap3A_102 = vector.load %arg11[%swap3A, %swap3A_101] : memref<10000x128xf32, #tpu.memory_space<vmem>>, vector<10000x128xf32>
    tpu.vector_store %arg11[%swap3A, %swap3A_101], %add3A_100 {strides = array<i32>} : memref<10000x128xf32, #tpu.memory_space<vmem>>, vector<10000x128xf32>,
    return
  }
}

</mosaic_0001>

<sc_bundles>
// kernel: kernel.12.cloned.1.call-start
scs
__scs_entry_jumppad:
0x0: {  	(pc) =	sbr.rel $0x88, $3  }
0x1: {  	(tag) =	ssettag $0x0;
	lr =	simm.s32 $0x1  }
0x2: {  	[smem:$0x3F96] =	sst lr;
	_ =	strace $0xD0000000  }
0x3: {  	_ = 	snop  }
0x4: {  	_ = 	snop  }
0x5: {  	_ = 	snop  }
0x6: {  	_ = 	snop  }
0x7: {  	_ = 	snop  }
__scs_overlays_trampoline_lowered:
0x8: {  	[smem:$0x3FA5] =	sst s0  }
0x9: {  	[smem:$0x3FA6] =	sst s1  }
0xa: {  	[smem:$0x3FA7] =	sst s2  }
0xb: {  	[smem:$0x3FA8] =	sst s3  }
0xc: {  	[smem:$0x3FA9] =	sst s4  }
0xd: {  	[smem:$0x3FAA] =	sst s5  }
0xe: {  	[smem:$0x3FAB] =	sst s6  }
0xf: {  	[smem:$0x3FAC] =	sst s7  }
0x10: {  	[smem:$0x3FAD] =	sst s8  }
0x11: {  	[smem:$0x3FAE] =	sst s9;
	s0 =	simm.s32 @!p0 $0x0  }
0x12: {  	s1 =	sld [smem:$0x3F94];
	s0 =	simm.s32 @p0 $0x1  }
0x13: {  	[smem:$0x3FAF] =	sst s0;
	s0 =	simm.s32 @!p1 $0x0  }
0x14: {  	s2 =	sld [smem:$0x3F93];
	s0 =	simm.s32 @p1 $0x1  }
0x15: {  	[smem:$0x3FB0] =	sst s0;
	s0 =	simm.s32 @!p2 $0x0  }
0x16: {  	s3 =	sld [smem:$0x3FDB];
	s0 =	simm.s32 @p2 $0x1  }
0x17: {  	s4 =	simm.s32 $0x1BF5;
	[smem:$0x3FB2] =	sst s0  }
0x18: {  	s0 =	sld [smem:$0x3F95];
	_ =	swait.ge [sflag:s4], $0x0  }
0x19: {  	s7 =	sld [smem:$0x3F96]  }
0x1a: {  	s8 =	sadd.s32 $0xFFFFE003, lr  }
0x1b: {  	s9 =	sadd.s32 $0xFFFFFEF7, lr;
	s5 =	simm.s32 $0xFFFFFFFF;
	p2 =	slt.u32 s8, $0xFFFFF086  }
0x1c: {  	p1 =	slt.u32 s9, $0xF7A;
	s5 =	simm.s32 @!p2 $0x0  }
0x1d: {  	s5 =	simm.s32 @p1 $0x1;
	p0 =	seq.s32 s7, s2  }
0x1e: {  	s7 =	smul.u32 @!p0 $0xF7A, s2;
	p2 =	seq.s32 @!p0 s5, $0x0  }
0x1f: {  	s9 =	smul.u32 $0xF7A, s1;
	s8 =	simm.s32 @!p0 $0x1BF5;
	p2 =	por !p2, p0  }
0x20: {  	[sflag:s8] =	ssyncset.s32 @!p0 $0xFFFFF086;
	s6 =	sadd.s32 @!p0 s3, s7;
	s7 =	simm.s32 @!p0 $0x108  }
0x21: {  	s3 =	sadd.s32 s3, s9;
	s6 =	sadd.s32 @!p0 $0x88, s6;
	s7 =	simm.s32 @p2 $0x1082  }
0x22: {  	[simem:s7], [sflag:s8] =	dma.local @!p0 [hbm:s6], $0xF7A  }
0x23: {  	s9 =	sor.u32 $0xD0000000, s2;
	s6 =	simm.s32 $0x108;
	_ =	swait.ge @!p0 [sflag:s8], $0x0  }
0x24: {  	s3 =	sadd.s32 $0x88, s3;
	s6 =	simm.s32 @!p1 $0x1082;
	[sflag:s4] =	ssyncset.s32 $0xFFFFF086  }
0x25: {  	[simem:s6], [sflag:s4] =	dma.local [hbm:s3], $0xF7A  }
0x26: {  	[smem:$0x3F96] =	sst s1;
	(tag) =	ssettag s2;
	_ =	strace s9  }
0x27: {  	s1 =	sld [smem:$0x3FA6]  }
0x28: {  	s2 =	sld [smem:$0x3FA7]  }
0x29: {  	s4 =	sld [smem:$0x3FA9]  }
0x2a: {  	p0 =	seq.s32 s5, $0x0;
	s5 =	sld [smem:$0x3FAA]  }
0x2b: {  	s6 =	sld [smem:$0x3FAB]  }
0x2c: {  	s7 =	sld [smem:$0x3FAC]  }
0x2d: {  	s3 =	simm.s32 $0x108;
	s8 =	sld [smem:$0x3FAD]  }
0x2e: {  	s3 =	simm.s32 @!p0 $0x1082;
	s9 =	sld [smem:$0x3FAE]  }
0x2f: {  	lr =	sadd.s32 s0, s3;
	s0 =	sld [smem:$0x3FA5]  }
0x30: {  	s3 =	sld [smem:$0x3FA8]  }
0x31: {  	[smem:$0x3FB1] =	sst s10  }
0x32: {  	s10 =	sld [smem:$0x3FAF];
	_ =	sdelay $0x3  }
0x33: {  	p0 =	seq.s32 s10, $0x1;
	s10 =	sld [smem:$0x3FB1];
	_ =	sdelay $0x3  }
0x34: {  	[smem:$0x3FB1] =	sst s10  }
0x35: {  	s10 =	sld [smem:$0x3FB0];
	_ =	sdelay $0x3  }
0x36: {  	p1 =	seq.s32 s10, $0x1;
	s10 =	sld [smem:$0x3FB1];
	_ =	sdelay $0x3  }
0x37: {  	[smem:$0x3FB1] =	sst s10  }
0x38: {  	s10 =	sld [smem:$0x3FB2]  }
0x39: {  	_ = 	snop;
	(pc) =	sbr.ind lr, $3  }
0x3a: {  	_ = 	snop  }
0x3b: {  	_ = 	snop  }
0x3c: {  	p2 =	seq.s32 s10, $0x1;
	s10 =	sld [smem:$0x3FB1]  }
0x3d: {  	_ =	shalt  }
0x3e: {  	_ =	shalt  }
0x3f: {  	_ =	shalt  }
0x40: {  	_ =	shalt  }
0x41: {  	_ =	shalt  }
0x42: {  	_ =	shalt  }
0x43: {  	_ =	shalt  }
0x44: {  	_ =	shalt  }
0x45: {  	_ =	shalt  }
0x46: {  	_ =	shalt  }
0x47: {  	_ =	shalt  }
0x48: {  	_ =	shalt  }
0x49: {  	_ =	shalt  }
0x4a: {  	_ =	shalt  }
0x4b: {  	_ =	shalt  }
0x4c: {  	_ =	shalt  }
0x4d: {  	_ =	shalt  }
0x4e: {  	_ =	shalt  }
0x4f: {  	_ =	shalt  }
0x50: {  	_ =	shalt  }
0x51: {  	_ =	shalt  }
0x52: {  	_ =	shalt  }
0x53: {  	_ =	shalt  }
0x54: {  	_ =	shalt  }
0x55: {  	_ =	shalt  }
0x56: {  	_ =	shalt  }
0x57: {  	_ =	shalt  }
0x58: {  	_ =	shalt  }
0x59: {  	_ =	shalt  }
0x5a: {  	_ =	shalt  }
0x5b: {  	_ =	shalt  }
0x5c: {  	_ =	shalt  }
0x5d: {  	_ =	shalt  }
0x5e: {  	_ =	shalt  }
0x5f: {  	_ =	shalt  }
0x60: {  	_ =	shalt  }
0x61: {  	_ =	shalt  }
0x62: {  	_ =	shalt  }
0x63: {  	_ =	shalt  }
0x64: {  	_ =	shalt  }
0x65: {  	_ =	shalt  }
0x66: {  	_ =	shalt  }
0x67: {  	_ =	shalt  }
0x68: {  	_ =	shalt  }
0x69: {  	_ =	shalt  }
0x6a: {  	_ =	shalt  }
0x6b: {  	_ =	shalt  }
0x6c: {  	_ =	shalt  }
0x6d: {  	_ =	shalt  }
0x6e: {  	_ =	shalt  }
0x6f: {  	_ =	shalt  }
0x70: {  	_ =	shalt  }
0x71: {  	_ =	shalt  }
0x72: {  	_ =	shalt  }
0x73: {  	_ =	shalt  }
0x74: {  	_ =	shalt  }
0x75: {  	_ =	shalt  }
0x76: {  	_ =	shalt  }
0x77: {  	_ =	shalt  }
0x78: {  	_ =	shalt  }
0x79: {  	_ =	shalt  }
0x7a: {  	_ =	shalt  }
0x7b: {  	_ =	shalt  }
0x7c: {  	_ =	shalt  }
0x7d: {  	_ =	shalt  }
0x7e: {  	_ =	shalt  }
0x7f: {  	_ =	shalt  }
0x80: {  	_ =	shalt  }
0x81: {  	_ =	shalt  }
0x82: {  	_ =	shalt  }
0x83: {  	_ =	shalt  }
0x84: {  	_ =	shalt  }
0x85: {  	_ =	shalt  }
0x86: {  	_ =	shalt  }
0x87: {  	_ =	shalt  }
.Lfunc_end0:
.L_simem_size_0:
called_computation.1_lowered:
.L_overlay_start_0:
0x88: {  	s2 =	sld [smem:$0x3FD9]  }
0x89: {  	s3 =	sld [smem:$0x3FFE];
	_ =	sdelay $0x1  }
0x8a: {  	s1 =	srdreg.scid  }
0x8b: {  	s0 =	sand.u32 $0x1, s1  }
0x8c: {  	s17 =	sshll.u32 s0, $0xA;
	s2 =	sadd.s32 s3, s2  }
0x8d: {  	s2 =	sadd.s32 s2, s17  }
0x8e: {  	[smem:$0x3FBD] =	sst s2  }
0x8f: {  	_ = 	snop  }
0x90: {  	s2 =	sld [smem:$0x3FD0];
	(tm) =	ssettm $0x1  }
0x91: {  	s18 =	sld [smem:$0x3FFB];
	_ =	sdelay $0x3  }
0x92: {  	_ =	strace s18  }
0x93: {  	s3 =	sld [smem:$0x3FFC];
	_ =	sdelay $0x3  }
0x94: {  	_ =	strace s3  }
0x95: {  	s3 =	sld [smem:$0x3FFD];
	_ =	sdelay $0x3  }
0x96: {  	_ =	strace s3  }
0x97: {  	_ =	strace $0x8FFFFFFF  }
0x98: {  	s19 =	sld [smem:$0x3FDB];
	_ =	sdelay $0x1  }
0x99: {  	s4 =	simm.s32 $_scs_section_size  }
0x9a: {  	s5 =	simm.s32 $_size__tile_overlayer_lowered;
	s6 =	simm.s32 $_tile_overlayer_lowered  }
0x9b: {  	s22 =	simm.s32 $0x1BFF;
	s21 =	sshll.u32 s6, $0x1;
	s3 =	sadd.s32 s4, s19  }
0x9c: {  	s7 =	simm.s32 $0x0;
	s20 =	sshll.u32 s5, $0x1;
	s5 =	sadd.s32 s21, s3  }
0x9d: {  	[timem:s7], [sflag:s22] =	dma.local [hbm:s5], s20  }
0x9e: {  	_ =	swait.ge [sflag:s22], s20  }
0x9f: {  	s4 =	ssub.s32 $0x0, s20;
	[sflag:s22] =	ssyncset.done $0x0  }
0xa0: {  	[sflag:s22] =	ssyncadd.s32 s4;
	_ =	sdelay $0x1  }
0xa1: {  	s23 =	simm.s32 $0x1B8B  }
0xa2: {  	_ =	swait.ge [sflag:s23], $0x1  }
0xa3: {  	[sflag:s23] =	ssyncset.done $0x0  }
0xa4: {  	s25 =	simm.s32 $0x1B8E;
	s24 =	sld [smem:$0x3FFE];
	[sflag:s23] =	ssyncadd.s32 $0xFFFFFFFF  }
0xa5: {  	s26 =	simm.s32 $execute0_lowered;
	[smem:$0x3FD2] =	sst s25  }
0xa6: {  	s5 =	sshll.u32 s26, $0x1;
	_ =	strace $0x80000049;
	[dreg:$0x1] =	wrdreg $0xFFFFFFFF  }
0xa7: {  	s28 =	simm.s32 $_size_execute0_lowered;
	s3 =	sadd.s32 s3, s5;
	[dreg:$0x0] =	wrdreg $0x0  }
0xa8: {  	s5 =	sshll.u32 s28, $0x1;
	[dreg:$0x2] =	wrdreg s3  }
0xa9: {  	[dreg:$0x3] =	wrdreg s5  }
0xaa: {  	[dreg:$0x4] =	wrdreg $0xC0  }
0xab: {  	_ =	task [dreg:s7], $0x5FFFF  }
0xac: {  	[dreg:$0x1] =	wrdreg $0xFFFFFFFF  }
0xad: {  	[dreg:$0x0] =	wrdreg $0x60  }
0xae: {  	[dreg:$0x2] =	wrdreg s2  }
0xaf: {  	[dreg:$0x3] =	wrdreg s24  }
0xb0: {  	[dreg:$0x4] =	wrdreg $0xB7000  }
0xb1: {  	[dreg:$0x5] =	wrdreg $0x9  }
0xb2: {  	_ =	task.clear_ibuf [dreg:s7], $0x6FFFF;
	_ =	strace $0x90000049  }
0xb3: {  	s29 =	simm.s32 $0x9;
	_ =	strace $0x8000004B  }
0xb4: {  	_ =	swait.ge [sflag:s29], $0x1  }
0xb5: {  	[sflag:s29] =	ssyncadd.s32 $0xFFFFFFFF  }
0xb6: {  	_ =	strace $0x9000004B  }
0xb7: {  	_ =	sfence  }
0xb8: {  	s30 =	sld [smem:$0x0];
	_ =	sdelay $0x2  }
0xb9: {  	s31 =	sshll.u32 s1, $0xD;
	s1 =	sshrl.u32 s1, $0x2  }
0xba: {  	s3 =	sand.u32 $0x4000, s31;
	s1 =	sadd.s32 s1, s30  }
0xbb: {  	s0 =	sor.u32 s3, s0;
	s1 =	sshll.u32 s1, $0x11  }
0xbc: {  	s0 =	sor.u32 s1, s0  }
0xbd: {  	s0 =	sadd.s32 $0x8F2B, s0  }
0xbe: {  	[sflag:s0] =	ssyncadd.remote.s32 $0x1  }
0xbf: {  	_ =	sfence.sel $0xFFFF  }
0xc0: {  	[dreg:$0x0] =	wrdreg $0xFFFFFFFF;
	(pc) =	sbr.abs _section_cstart, $3  }
0xc1: {  	[dreg:$0x1] =	wrdreg $0xFFFFFFFF  }
0xc2: {  	_ =	task.clear_ibuf [dreg:s7], $0x2FFFF;
	_ =	strace $0x9FFFFFFF  }
0xc3: {  	(tm) =	ssettm $0x7FFFFFFF  }
tec
execute0_lowered:
.L_overlay_start_1:
0x0: {  	(tag) =	ssettag $0x1  }
0x1: {  	s1 =	rddreg [dreg:$0x0]  }
0x2: {  	s0 =	rddreg [dreg:$0x1]  }
0x3: {  	s2 =	rddreg [dreg:$0x2];
	s3 =	srdreg.scid  }
0x4: {  	s4 =	simm.s32 $0x0;
	s12 =	stileid.u32;
	s28 =	simm.s32 $0x3F00  }
0x5: {  	s29 =	simm.s32 $0x7B00;
	s30 =	simm.s32 $0xA;
	s31 =	simm.s32 $0x1  }
0x6: {  	s3 =	sand.u32 $0x1, s3;
	[smem:$0x7FF] =	sst s4;
	s6 =	smul.u32 $0x13C00, s12  }
0x7: {  	s7 =	sshll.u32 s12, $0x1;
	s8 =	sadd.s32 $0xE200, s0;
	s20 =	smul.u32 $0x4F000, s12  }
0x8: {  	s9 =	sadd.s32 $0x3800, s0;
	s10 =	sadd.s32 $0x18C00, s0;
	s22 =	smul.u32 $0x1E, s12  }
0x9: {  	s23 =	sshll.u32 s12, $0x6;
	s5 =	smul.u32 $0x13C000, s3;
	_ =	strace $0x8000004A  }
0xa: {  	s7 =	sor.u32 s3, s7;
	s14 =	ssub.s32 $0x2, s3;
	s3 =	smul.u32 $0xF, s3  }
0xb: {  	[dreg:$0x6] =	wrdreg s10;
	s10 =	simm.s32 $0x0;
	s13 =	smul.u32 $0x78, s7  }
0xc: {  	s11 =	sshrl.u32 s14, $0x1;
	s7 =	smul.u32 $0xF, s7;
	s24 =	sadd.s32 s22, s8  }
0xd: {  	s5 =	sadd.s32 s6, s5;
	s15 =	ssub.s32 s14, s11;
	s25 =	sadd.s32 s3, s24  }
0xe: {  	s14 =	simm.s32 $0xD;
	s24 =	simm.s32 $0x9;
	s5 =	sshrl.u32 s5, $0x3  }
0xf: {  	s6 =	sshrl.u32 s13, $0x3;
	s17 =	sadd.s32 s8, s7;
	[dreg:$0x4] =	wrdreg s25  }
0x10: {  	s7 =	sadd.s32 s9, s7;
	s13 =	sor.u32 $0x1C0D, s23;
	[dreg:$0x7] =	wrdreg s17  }
0x11: {  	s23 =	simm.s32 $0x8;
	s0 =	sadd.s32 s5, s0;
	[dreg:$0x8] =	wrdreg s7  }
0x12: {  	s16 =	sadd.s32 $0x1E0, s6;
	s5 =	smax.u32 s15, $0x1;
	[dreg:$0xe] =	wrdreg s13  }
0x13: {  	s25 =	simm.s32 $0x78;
	s18 =	sadd.s32 s8, s16;
	[dreg:$0x10] =	wrdreg s5  }
0x14: {  	s6 =	sadd.s32 $0x3C0, s6;
	s19 =	sadd.s32 s9, s16;
	[dreg:$0x9] =	wrdreg s18  }
0x15: {  	s7 =	sshrl.u32 s20, $0x2;
	s21 =	sadd.s32 s8, s6;
	[dreg:$0xa] =	wrdreg s19  }
0x16: {  	s17 =	simm.s32 $0x80;
	s6 =	sadd.s32 s9, s6;
	[dreg:$0xb] =	wrdreg s21  }
0x17: {  	s20 =	simm.s32 $0x280;
	s7 =	sadd.s32 s7, s2;
	[dreg:$0xc] =	wrdreg s6  }
0x18: {  	s0 =	sadd.s32 $0x1B400, s0;
	s16 =	simm.s32 $0x180;
	[dreg:$0xd] =	wrdreg s7  }
0x19: {  	s5 =	simm.s32 $0xC;
	s8 =	simm.s32 $0x5;
	[dreg:$0xf] =	wrdreg s0  }
0x1a: {  	s6 =	sadd.s32 s22, s9;
	s18 =	simm.s32 $0x200;
	s19 =	simm.s32 $0x100  }
0x1b: {  	s22 =	simm.s32 $0x7;
	s0 =	simm.s32 $0xB;
	s7 =	simm.s32 $0x4  }
0x1c: {  	s9 =	simm.s32 $0x6;
	s26 =	sadd.s32 s3, s6;
	s3 =	simm.s32 $0x2  }
0x1d: {  	s6 =	simm.s32 $0x3;
	[dreg:$0x5] =	wrdreg s26;
	s26 =	simm.s32 $0x300  }
.LBB2_1:
0x1e: {  	s11 =	rddreg [dreg:$0x7]  }
0x1f: {  	s21 =	rddreg [dreg:$0x8]  }
0x20: {  	[tilespmem:s4], [sflag:$0x7] =	stream.linear.gather [hbm4b:s11+s4], $0x78, $0x38;
	[tilespmem:$0x1F300] =	vst v63  }
0x21: {  	s12 =	rddreg [dreg:$0x9]  }
0x22: {  	[tilespmem:s16], [sflag:$0xA] =	stream.linear.gather [hbm4b:s21+s4], $0x78, $0x38;
	[tilespmem:$0x1F300] =	vst v63  }
0x23: {  	s15 =	rddreg [dreg:$0xa]  }
0x24: {  	[tilespmem:s17], [sflag:$0x8] =	stream.linear.gather [hbm4b:s12+s4], $0x78, $0x38;
	[tilespmem:$0x1F300] =	vst v63  }
0x25: {  	s21 =	rddreg [dreg:$0xb]  }
0x26: {  	[tilespmem:s18], [sflag:$0xB] =	stream.linear.gather [hbm4b:s15+s4], $0x78, $0x38;
	[tilespmem:$0x1F300] =	vst v63  }
0x27: {  	s12 =	rddreg [dreg:$0xc]  }
0x28: {  	[tilespmem:s19], [sflag:$0x9] =	stream.linear.gather [hbm4b:s21+s4], $0x78, $0x38;
	[tilespmem:$0x1F300] =	vst v63  }
0x29: {  	s15 =	rddreg [dreg:$0xd]  }
0x2a: {  	[tilespmem:s20], [sflag:$0xC] =	stream.linear.gather [hbm4b:s12+s4], $0x78, $0x38;
	[tilespmem:$0x1F300] =	vst v63  }
0x2b: {  	s11 =	sshrl.u32 s15, $0x3;
	s12 =	rddreg [dreg:$0x6]  }
0x2c: {  	[spmem:s11], [sflag:s13] =	dma.local [hbm:s12], $0x2780  }
0x2d: {  	_ =	swait.ge [sflag:s14], $0x2780  }
0x2e: {  	[sflag:s14] =	ssyncset.done $0x0  }
0x2f: {  	[sflag:s14] =	ssyncadd.s32 $0xFFFFD880  }
0x30: {  	[bflag:$0x0] =	sbarrier.arrive $0xFFFF  }
0x31: {  	_ =	swait.ge [sflag:s22], $0x78  }
0x32: {  	[sflag:s22] =	ssyncset.done $0x0  }
0x33: {  	[sflag:s22] =	ssyncadd.s32 $0xFFFFFF88  }
0x34: {  	_ =	swait.ge [sflag:s23], $0x78  }
0x35: {  	[sflag:s23] =	ssyncset.done $0x0  }
0x36: {  	[sflag:s23] =	ssyncadd.s32 $0xFFFFFF88  }
0x37: {  	_ =	swait.ge [sflag:s24], $0x78  }
0x38: {  	[sflag:s24] =	ssyncset.done $0x0  }
0x39: {  	[sflag:s24] =	ssyncadd.s32 $0xFFFFFF88  }
0x3a: {  	[tilespmem:s26], [sflag:$0x1] =	stream.indirect.gather [hbm4b:s1+s25], $0x80, s4, s25, $0xb8;
	[tilespmem:$0x1F300] =	vst v63  }
0x3b: {  	_ = 	snop  }
0x3c: {  	[tilespmem:s28], [sflag:$0x2] =	stream.indirect.gather [hbm4b:s1+s25], $0x80, s17, s25, $0xb8;
	[tilespmem:$0x1F300] =	vst v63  }
0x3d: {  	_ = 	snop  }
0x3e: {  	[tilespmem:s29], [sflag:$0x3] =	stream.indirect.gather [hbm4b:s1+s25], $0x80, s19, s25, $0xb8;
	[tilespmem:$0x1F300] =	vst v63  }
0x3f: {  	_ =	swait.ge [sflag:s30], $0x78  }
0x40: {  	[sflag:s30] =	ssyncset.done $0x0  }
0x41: {  	[sflag:s30] =	ssyncadd.s32 $0xFFFFFF88  }
0x42: {  	_ =	swait.ge [sflag:s31], $0x3C00  }
0x43: {  	[sflag:s31] =	ssyncset.done $0x0  }
0x44: {  	[sflag:s31] =	ssyncadd.s32 $0xFFFFC400  }
0x45: {  	_ =	swait.ge [sflag:s0], $0x78  }
0x46: {  	[sflag:s0] =	ssyncset.done $0x0  }
0x47: {  	[sflag:s0] =	ssyncadd.s32 $0xFFFFFF88  }
0x48: {  	_ =	swait.ge [sflag:s3], $0x3C00  }
0x49: {  	[sflag:s3] =	ssyncset.done $0x0  }
0x4a: {  	[sflag:s3] =	ssyncadd.s32 $0xFFFFC400  }
0x4b: {  	_ =	swait.ge [sflag:s5], $0x78  }
0x4c: {  	[sflag:s5] =	ssyncset.done $0x0  }
0x4d: {  	[sflag:s5] =	ssyncadd.s32 $0xFFFFFF88  }
0x4e: {  	_ =	swait.ge [sflag:s6], $0x3C00  }
0x4f: {  	[sflag:s6] =	ssyncset.done $0x0  }
0x50: {  	[sflag:s6] =	ssyncadd.s32 $0xFFFFC400  }
0x51: {  	[spmem:s2] =	stream.indirect.scatter.add.f32 [tilespmem:s26], [sflag:$0x4], $0x80, s16, s25, $0xb8;
	[tilespmem:$0x1F300] =	vst v63  }
0x52: {  	_ = 	snop  }
0x53: {  	[spmem:s2] =	stream.indirect.scatter.add.f32 [tilespmem:s28], [sflag:$0x5], $0x80, s18, s25, $0xb8;
	[tilespmem:$0x1F300] =	vst v63  }
0x54: {  	_ = 	snop  }
0x55: {  	[spmem:s2] =	stream.indirect.scatter.add.f32 [tilespmem:s29], [sflag:$0x6], $0x80, s20, s25, $0xb8;
	[tilespmem:$0x1F300] =	vst v63  }
0x56: {  	_ =	swait.ge [sflag:s7], $0x3C00  }
0x57: {  	s21 =	rddreg [dreg:$0x4]  }
0x58: {  	s13 =	rddreg [dreg:$0x5];
	[sflag:s7] =	ssyncset.done $0x0;
	s12 =	sadd.s32 $0x0, s21  }
0x59: {  	[sflag:s7] =	ssyncadd.s32 $0xFFFFC400;
	s14 =	sadd.s32 $0x0, s13;
	s15 =	sadd.s32 $0x5A0, s12  }
0x5a: {  	[tilespmem:s4], [sflag:$0x7] =	stream.linear.gather [hbm4b:s15+s4], $0x78, $0x38;
	[tilespmem:$0x1F300] =	vst v63  }
0x5b: {  	s21 =	sadd.s32 $0x5A0, s14  }
0x5c: {  	[tilespmem:s16], [sflag:$0xA] =	stream.linear.gather [hbm4b:s21+s4], $0x78, $0x38;
	[tilespmem:$0x1F300] =	vst v63  }
0x5d: {  	_ =	swait.ge [sflag:s8], $0x3C00  }
0x5e: {  	[sflag:s8] =	ssyncset.done $0x0  }
0x5f: {  	s13 =	sadd.s32 $0x780, s12;
	[sflag:s8] =	ssyncadd.s32 $0xFFFFC400  }
0x60: {  	[tilespmem:s17], [sflag:$0x8] =	stream.linear.gather [hbm4b:s13+s4], $0x78, $0x38;
	[tilespmem:$0x1F300] =	vst v63  }
0x61: {  	s21 =	sadd.s32 $0x780, s14  }
0x62: {  	[tilespmem:s18], [sflag:$0xB] =	stream.linear.gather [hbm4b:s21+s4], $0x78, $0x38;
	[tilespmem:$0x1F300] =	vst v63  }
0x63: {  	_ =	swait.ge [sflag:s9], $0x3C00  }
0x64: {  	[sflag:s9] =	ssyncset.done $0x0  }
0x65: {  	s12 =	sadd.s32 $0x960, s12;
	[sflag:s9] =	ssyncadd.s32 $0xFFFFC400  }
0x66: {  	[tilespmem:s19], [sflag:$0x9] =	stream.linear.gather [hbm4b:s12+s4], $0x78, $0x38;
	[tilespmem:$0x1F300] =	vst v63  }
0x67: {  	s15 =	sadd.s32 $0x960, s14;
	s12 =	simm.s32 $0x5A0  }
.LBB2_2:
0x68: {  	[tilespmem:s20], [sflag:$0xC] =	stream.linear.gather [hbm4b:s15+s4], $0x78, $0x38;
	[tilespmem:$0x1F300] =	vst v63  }
0x69: {  	_ =	swait.ge [sflag:s22], $0x78  }
0x6a: {  	[sflag:s22] =	ssyncset.done $0x0  }
0x6b: {  	[sflag:s22] =	ssyncadd.s32 $0xFFFFFF88  }
0x6c: {  	_ =	swait.ge [sflag:s23], $0x78  }
0x6d: {  	[sflag:s23] =	ssyncset.done $0x0  }
0x6e: {  	[sflag:s23] =	ssyncadd.s32 $0xFFFFFF88  }
0x6f: {  	_ =	swait.ge [sflag:s24], $0x78  }
0x70: {  	[sflag:s24] =	ssyncset.done $0x0  }
0x71: {  	[sflag:s24] =	ssyncadd.s32 $0xFFFFFF88  }
0x72: {  	[tilespmem:s26], [sflag:$0x1] =	stream.indirect.gather [hbm4b:s1+s25], $0x80, s4, s25, $0xb8;
	[tilespmem:$0x1F300] =	vst v63  }
0x73: {  	_ = 	snop  }
0x74: {  	[tilespmem:s28], [sflag:$0x2] =	stream.indirect.gather [hbm4b:s1+s25], $0x80, s17, s25, $0xb8;
	[tilespmem:$0x1F300] =	vst v63  }
0x75: {  	_ = 	snop  }
0x76: {  	[tilespmem:s29], [sflag:$0x3] =	stream.indirect.gather [hbm4b:s1+s25], $0x80, s19, s25, $0xb8;
	[tilespmem:$0x1F300] =	vst v63  }
0x77: {  	_ =	swait.ge [sflag:s30], $0x78  }
0x78: {  	[sflag:s30] =	ssyncset.done $0x0  }
0x79: {  	[sflag:s30] =	ssyncadd.s32 $0xFFFFFF88  }
0x7a: {  	_ =	swait.ge [sflag:s31], $0x3C00  }
0x7b: {  	[sflag:s31] =	ssyncset.done $0x0  }
0x7c: {  	[sflag:s31] =	ssyncadd.s32 $0xFFFFC400  }
0x7d: {  	_ =	swait.ge [sflag:s0], $0x78  }
0x7e: {  	[sflag:s0] =	ssyncset.done $0x0  }
0x7f: {  	[sflag:s0] =	ssyncadd.s32 $0xFFFFFF88  }
0x80: {  	_ =	swait.ge [sflag:s3], $0x3C00  }
0x81: {  	[sflag:s3] =	ssyncset.done $0x0  }
0x82: {  	[sflag:s3] =	ssyncadd.s32 $0xFFFFC400  }
0x83: {  	_ =	swait.ge [sflag:s5], $0x78  }
0x84: {  	[sflag:s5] =	ssyncset.done $0x0  }
0x85: {  	[sflag:s5] =	ssyncadd.s32 $0xFFFFFF88  }
0x86: {  	_ =	swait.ge [sflag:s6], $0x3C00  }
0x87: {  	[sflag:s6] =	ssyncset.done $0x0  }
0x88: {  	[sflag:s6] =	ssyncadd.s32 $0xFFFFC400  }
0x89: {  	[spmem:s2] =	stream.indirect.scatter.add.f32 [tilespmem:s26], [sflag:$0x4], $0x80, s16, s25, $0xb8;
	[tilespmem:$0x1F300] =	vst v63  }
0x8a: {  	_ = 	snop  }
0x8b: {  	[spmem:s2] =	stream.indirect.scatter.add.f32 [tilespmem:s28], [sflag:$0x5], $0x80, s18, s25, $0xb8;
	[tilespmem:$0x1F300] =	vst v63  }
0x8c: {  	_ = 	snop  }
0x8d: {  	[spmem:s2] =	stream.indirect.scatter.add.f32 [tilespmem:s29], [sflag:$0x6], $0x80, s20, s25, $0xb8;
	[tilespmem:$0x1F300] =	vst v63  }
0x8e: {  	_ =	swait.ge [sflag:s7], $0x3C00  }
0x8f: {  	s14 =	smov.u32 s12;
	s21 =	rddreg [dreg:$0x4]  }
0x90: {  	s13 =	rddreg [dreg:$0x5];
	[sflag:s7] =	ssyncset.done $0x0;
	s15 =	sadd.s32 s14, s21  }
0x91: {  	[sflag:s7] =	ssyncadd.s32 $0xFFFFC400;
	s13 =	sadd.s32 s14, s13;
	s21 =	sadd.s32 $0x5A0, s15  }
0x92: {  	[tilespmem:s4], [sflag:$0x7] =	stream.linear.gather [hbm4b:s21+s4], $0x78, $0x38;
	[tilespmem:$0x1F300] =	vst v63  }
0x93: {  	s14 =	sadd.s32 $0x5A0, s13  }
0x94: {  	[tilespmem:s16], [sflag:$0xA] =	stream.linear.gather [hbm4b:s14+s4], $0x78, $0x38;
	[tilespmem:$0x1F300] =	vst v63  }
0x95: {  	_ =	swait.ge [sflag:s8], $0x3C00  }
0x96: {  	[sflag:s8] =	ssyncset.done $0x0  }
0x97: {  	s14 =	sadd.s32 $0x780, s15;
	[sflag:s8] =	ssyncadd.s32 $0xFFFFC400  }
0x98: {  	[tilespmem:s17], [sflag:$0x8] =	stream.linear.gather [hbm4b:s14+s4], $0x78, $0x38;
	[tilespmem:$0x1F300] =	vst v63  }
0x99: {  	p0 =	sne.s32 s12, $0x97E0;
	s21 =	sadd.s32 $0x780, s13  }
0x9a: {  	[tilespmem:s18], [sflag:$0xB] =	stream.linear.gather [hbm4b:s21+s4], $0x78, $0x38;
	[tilespmem:$0x1F300] =	vst v63  }
.Ltmp0:
0x9b: {  	_ = 	snop;
	(pc) =	sbr.rel @p0 .LBB2_2-.Ltmp0, $4  }
0x9c: {  	_ =	swait.ge [sflag:s9], $0x3C00  }
0x9d: {  	s12 =	sadd.s32 $0x5A0, s12;
	[sflag:s9] =	ssyncset.done $0x0  }
0x9e: {  	s21 =	sadd.s32 $0x960, s15;
	s15 =	sadd.s32 $0x960, s13;
	[sflag:s9] =	ssyncadd.s32 $0xFFFFC400  }
0x9f: {  	[tilespmem:s19], [sflag:$0x9] =	stream.linear.gather [hbm4b:s21+s4], $0x78, $0x38;
	[tilespmem:$0x1F300] =	vst v63  }
0xa0: {  	[tilespmem:s20], [sflag:$0xC] =	stream.linear.gather [hbm4b:s15+s4], $0x78, $0x38;
	[tilespmem:$0x1F300] =	vst v63  }
0xa1: {  	_ =	swait.ge [sflag:s22], $0x78  }
0xa2: {  	[sflag:s22] =	ssyncset.done $0x0  }
0xa3: {  	[sflag:s22] =	ssyncadd.s32 $0xFFFFFF88  }
0xa4: {  	_ =	swait.ge [sflag:s30], $0x78  }
0xa5: {  	[sflag:s30] =	ssyncset.done $0x0  }
0xa6: {  	[sflag:s30] =	ssyncadd.s32 $0xFFFFFF88  }
0xa7: {  	_ =	swait.ge [sflag:s23], $0x78  }
0xa8: {  	[sflag:s23] =	ssyncset.done $0x0  }
0xa9: {  	[sflag:s23] =	ssyncadd.s32 $0xFFFFFF88  }
0xaa: {  	_ =	swait.ge [sflag:s0], $0x78  }
0xab: {  	[sflag:s0] =	ssyncset.done $0x0  }
0xac: {  	[sflag:s0] =	ssyncadd.s32 $0xFFFFFF88  }
0xad: {  	_ =	swait.ge [sflag:s24], $0x78  }
0xae: {  	[sflag:s24] =	ssyncset.done $0x0  }
0xaf: {  	[sflag:s24] =	ssyncadd.s32 $0xFFFFFF88  }
0xb0: {  	_ =	swait.ge [sflag:s5], $0x78  }
0xb1: {  	[sflag:s5] =	ssyncset.done $0x0  }
0xb2: {  	[sflag:s5] =	ssyncadd.s32 $0xFFFFFF88  }
0xb3: {  	[bflag:$0x0] =	sbarrier.arrive $0xFFFF  }
0xb4: {  	s13 =	rddreg [dreg:$0xe]  }
0xb5: {  	s14 =	simm.s32 $0xD;
	s12 =	rddreg [dreg:$0xf]  }
0xb6: {  	[hbm:s12], [sflag:s13] =	dma.local [spmem:s11], $0x2780  }
0xb7: {  	_ =	swait.ge [sflag:s14], $0x2780  }
0xb8: {  	s10 =	sadd.s32 $0x1, s10;
	s21 =	rddreg [dreg:$0x10]  }
0xb9: {  	p0 =	sne.s32 s10, s21  }
.Ltmp1:
0xba: {  	_ = 	snop;
	(pc) =	sbr.rel @p0 .LBB2_1-.Ltmp1, $3  }
0xbb: {  	_ =	sdelay $0x1  }
0xbc: {  	[sflag:s14] =	ssyncset.done $0x0  }
0xbd: {  	[sflag:s14] =	ssyncadd.s32 $0xFFFFD880  }
0xbe: {  	_ =	sfence.sel $0x180000  }
0xbf: {  	[bflag:$0x0] =	sbarrier.arrive $0xFFFF  }
0xc0: {  	_ =	strace $0x9000004A  }
0xc1: {  	s0 =	stileid.u32;
	[bflag:$0x2] =	sbarrier.arrive $0xFFFF  }
0xc2: {  	p0 =	sne.s32 s0, $0x0;
	s0 =	rddreg [dreg:$0x3]  }
0xc3: {  	s0 =	sadd.s32 @!p0 $0x100000, s0  }
0xc4: {  	[sflag:s0] =	ssyncadd.tile.s32 @!p0 $0x1;
	_ =	shalt  }
.Lfunc_end2:
_tile_overlayer_lowered:
.L_overlay_start_2:
0xc5: {  	(tag) =	ssettag $0x2  }
0xc6: {  	s0 =	rddreg [dreg:$0x0];
	s2 =	stileid.u32  }
0xc7: {  	s1 =	rddreg [dreg:$0x1];
	p0 =	sne.s32 s2, $0x0  }
0xc8: {  	s3 =	rddreg [dreg:$0x2];
	[bflag:$0x3] =	sbarrier.arrive $0xFFFF;
	s2 =	simm.s32 @!p0 $0x1C0D  }
0xc9: {  	[timem:s3], [sflag:s2] =	dma.local @!p0 [hbm:s0], s1  }
0xca: {  	s0 =	simm.s32 @!p0 $0xD  }
0xcb: {  	_ =	swait.ge @!p0 [sflag:s0], s1  }
0xcc: {  	s1 =	ssub.s32 @!p0 $0x0, s1;
	[sflag:s0] =	ssyncset.done @!p0 $0x0  }
0xcd: {  	[sflag:s0] =	ssyncadd.s32 @!p0 s1  }
0xce: {  	[bflag:$0x3] =	sbarrier.arrive $0xFFFF  }
0xcf: {  	_ =	shalt  }

// kernel: kernel.15.cloned.1.call-start
scs
__scs_entry_jumppad:
0x0: {  	(pc) =	sbr.rel $0x88, $3  }
0x1: {  	(tag) =	ssettag $0x0;
	lr =	simm.s32 $0x1  }
0x2: {  	[smem:$0x3F96] =	sst lr;
	_ =	strace $0xD0000000  }
0x3: {  	_ = 	snop  }
0x4: {  	_ = 	snop  }
0x5: {  	_ = 	snop  }
0x6: {  	_ = 	snop  }
0x7: {  	_ = 	snop  }
__scs_overlays_trampoline_lowered:
0x8: {  	[smem:$0x3FA5] =	sst s0  }
0x9: {  	[smem:$0x3FA6] =	sst s1  }
0xa: {  	[smem:$0x3FA7] =	sst s2  }
0xb: {  	[smem:$0x3FA8] =	sst s3  }
0xc: {  	[smem:$0x3FA9] =	sst s4  }
0xd: {  	[smem:$0x3FAA] =	sst s5  }
0xe: {  	[smem:$0x3FAB] =	sst s6  }
0xf: {  	[smem:$0x3FAC] =	sst s7  }
0x10: {  	[smem:$0x3FAD] =	sst s8  }
0x11: {  	[smem:$0x3FAE] =	sst s9;
	s0 =	simm.s32 @!p0 $0x0  }
0x12: {  	s1 =	sld [smem:$0x3F94];
	s0 =	simm.s32 @p0 $0x1  }
0x13: {  	[smem:$0x3FAF] =	sst s0;
	s0 =	simm.s32 @!p1 $0x0  }
0x14: {  	s2 =	sld [smem:$0x3F93];
	s0 =	simm.s32 @p1 $0x1  }
0x15: {  	[smem:$0x3FB0] =	sst s0;
	s0 =	simm.s32 @!p2 $0x0  }
0x16: {  	s3 =	sld [smem:$0x3FDB];
	s0 =	simm.s32 @p2 $0x1  }
0x17: {  	s4 =	simm.s32 $0x1BF5;
	[smem:$0x3FB2] =	sst s0  }
0x18: {  	s0 =	sld [smem:$0x3F95];
	_ =	swait.ge [sflag:s4], $0x0  }
0x19: {  	s7 =	sld [smem:$0x3F96]  }
0x1a: {  	s8 =	sadd.s32 $0xFFFFE003, lr  }
0x1b: {  	s9 =	sadd.s32 $0xFFFFFEF7, lr;
	s5 =	simm.s32 $0xFFFFFFFF;
	p2 =	slt.u32 s8, $0xFFFFF086  }
0x1c: {  	p1 =	slt.u32 s9, $0xF7A;
	s5 =	simm.s32 @!p2 $0x0  }
0x1d: {  	s5 =	simm.s32 @p1 $0x1;
	p0 =	seq.s32 s7, s2  }
0x1e: {  	s7 =	smul.u32 @!p0 $0xF7A, s2;
	p2 =	seq.s32 @!p0 s5, $0x0  }
0x1f: {  	s9 =	smul.u32 $0xF7A, s1;
	s8 =	simm.s32 @!p0 $0x1BF5;
	p2 =	por !p2, p0  }
0x20: {  	[sflag:s8] =	ssyncset.s32 @!p0 $0xFFFFF086;
	s6 =	sadd.s32 @!p0 s3, s7;
	s7 =	simm.s32 @!p0 $0x108  }
0x21: {  	s3 =	sadd.s32 s3, s9;
	s6 =	sadd.s32 @!p0 $0x88, s6;
	s7 =	simm.s32 @p2 $0x1082  }
0x22: {  	[simem:s7], [sflag:s8] =	dma.local @!p0 [hbm:s6], $0xF7A  }
0x23: {  	s9 =	sor.u32 $0xD0000000, s2;
	s6 =	simm.s32 $0x108;
	_ =	swait.ge @!p0 [sflag:s8], $0x0  }
0x24: {  	s3 =	sadd.s32 $0x88, s3;
	s6 =	simm.s32 @!p1 $0x1082;
	[sflag:s4] =	ssyncset.s32 $0xFFFFF086  }
0x25: {  	[simem:s6], [sflag:s4] =	dma.local [hbm:s3], $0xF7A  }
0x26: {  	[smem:$0x3F96] =	sst s1;
	(tag) =	ssettag s2;
	_ =	strace s9  }
0x27: {  	s1 =	sld [smem:$0x3FA6]  }
0x28: {  	s2 =	sld [smem:$0x3FA7]  }
0x29: {  	s4 =	sld [smem:$0x3FA9]  }
0x2a: {  	p0 =	seq.s32 s5, $0x0;
	s5 =	sld [smem:$0x3FAA]  }
0x2b: {  	s6 =	sld [smem:$0x3FAB]  }
0x2c: {  	s7 =	sld [smem:$0x3FAC]  }
0x2d: {  	s3 =	simm.s32 $0x108;
	s8 =	sld [smem:$0x3FAD]  }
0x2e: {  	s3 =	simm.s32 @!p0 $0x1082;
	s9 =	sld [smem:$0x3FAE]  }
0x2f: {  	lr =	sadd.s32 s0, s3;
	s0 =	sld [smem:$0x3FA5]  }
0x30: {  	s3 =	sld [smem:$0x3FA8]  }
0x31: {  	[smem:$0x3FB1] =	sst s10  }
0x32: {  	s10 =	sld [smem:$0x3FAF];
	_ =	sdelay $0x3  }
0x33: {  	p0 =	seq.s32 s10, $0x1;
	s10 =	sld [smem:$0x3FB1];
	_ =	sdelay $0x3  }
0x34: {  	[smem:$0x3FB1] =	sst s10  }
0x35: {  	s10 =	sld [smem:$0x3FB0];
	_ =	sdelay $0x3  }
0x36: {  	p1 =	seq.s32 s10, $0x1;
	s10 =	sld [smem:$0x3FB1];
	_ =	sdelay $0x3  }
0x37: {  	[smem:$0x3FB1] =	sst s10  }
0x38: {  	s10 =	sld [smem:$0x3FB2]  }
0x39: {  	_ = 	snop;
	(pc) =	sbr.ind lr, $3  }
0x3a: {  	_ = 	snop  }
0x3b: {  	_ = 	snop  }
0x3c: {  	p2 =	seq.s32 s10, $0x1;
	s10 =	sld [smem:$0x3FB1]  }
0x3d: {  	_ =	shalt  }
0x3e: {  	_ =	shalt  }
0x3f: {  	_ =	shalt  }
0x40: {  	_ =	shalt  }
0x41: {  	_ =	shalt  }
0x42: {  	_ =	shalt  }
0x43: {  	_ =	shalt  }
0x44: {  	_ =	shalt  }
0x45: {  	_ =	shalt  }
0x46: {  	_ =	shalt  }
0x47: {  	_ =	shalt  }
0x48: {  	_ =	shalt  }
0x49: {  	_ =	shalt  }
0x4a: {  	_ =	shalt  }
0x4b: {  	_ =	shalt  }
0x4c: {  	_ =	shalt  }
0x4d: {  	_ =	shalt  }
0x4e: {  	_ =	shalt  }
0x4f: {  	_ =	shalt  }
0x50: {  	_ =	shalt  }
0x51: {  	_ =	shalt  }
0x52: {  	_ =	shalt  }
0x53: {  	_ =	shalt  }
0x54: {  	_ =	shalt  }
0x55: {  	_ =	shalt  }
0x56: {  	_ =	shalt  }
0x57: {  	_ =	shalt  }
0x58: {  	_ =	shalt  }
0x59: {  	_ =	shalt  }
0x5a: {  	_ =	shalt  }
0x5b: {  	_ =	shalt  }
0x5c: {  	_ =	shalt  }
0x5d: {  	_ =	shalt  }
0x5e: {  	_ =	shalt  }
0x5f: {  	_ =	shalt  }
0x60: {  	_ =	shalt  }
0x61: {  	_ =	shalt  }
0x62: {  	_ =	shalt  }
0x63: {  	_ =	shalt  }
0x64: {  	_ =	shalt  }
0x65: {  	_ =	shalt  }
0x66: {  	_ =	shalt  }
0x67: {  	_ =	shalt  }
0x68: {  	_ =	shalt  }
0x69: {  	_ =	shalt  }
0x6a: {  	_ =	shalt  }
0x6b: {  	_ =	shalt  }
0x6c: {  	_ =	shalt  }
0x6d: {  	_ =	shalt  }
0x6e: {  	_ =	shalt  }
0x6f: {  	_ =	shalt  }
0x70: {  	_ =	shalt  }
0x71: {  	_ =	shalt  }
0x72: {  	_ =	shalt  }
0x73: {  	_ =	shalt  }
0x74: {  	_ =	shalt  }
0x75: {  	_ =	shalt  }
0x76: {  	_ =	shalt  }
0x77: {  	_ =	shalt  }
0x78: {  	_ =	shalt  }
0x79: {  	_ =	shalt  }
0x7a: {  	_ =	shalt  }
0x7b: {  	_ =	shalt  }
0x7c: {  	_ =	shalt  }
0x7d: {  	_ =	shalt  }
0x7e: {  	_ =	shalt  }
0x7f: {  	_ =	shalt  }
0x80: {  	_ =	shalt  }
0x81: {  	_ =	shalt  }
0x82: {  	_ =	shalt  }
0x83: {  	_ =	shalt  }
0x84: {  	_ =	shalt  }
0x85: {  	_ =	shalt  }
0x86: {  	_ =	shalt  }
0x87: {  	_ =	shalt  }
.Lfunc_end0:
.L_simem_size_0:
called_computation.2_lowered:
.L_overlay_start_0:
0x88: {  	s2 =	sld [smem:$0x3FD9]  }
0x89: {  	s3 =	sld [smem:$0x3FFE];
	_ =	sdelay $0x1  }
0x8a: {  	s1 =	srdreg.scid  }
0x8b: {  	s0 =	sand.u32 $0x1, s1  }
0x8c: {  	s17 =	sshll.u32 s0, $0xA;
	s2 =	sadd.s32 s3, s2  }
0x8d: {  	s2 =	sadd.s32 s2, s17  }
0x8e: {  	[smem:$0x3FBD] =	sst s2  }
0x8f: {  	_ = 	snop  }
0x90: {  	s2 =	sld [smem:$0x3FD0];
	(tm) =	ssettm $0x1  }
0x91: {  	s18 =	sld [smem:$0x3FFB];
	_ =	sdelay $0x3  }
0x92: {  	_ =	strace s18  }
0x93: {  	s3 =	sld [smem:$0x3FFC];
	_ =	sdelay $0x3  }
0x94: {  	_ =	strace s3  }
0x95: {  	s3 =	sld [smem:$0x3FFD];
	_ =	sdelay $0x3  }
0x96: {  	_ =	strace s3  }
0x97: {  	_ =	strace $0x8FFFFFFF  }
0x98: {  	s19 =	sld [smem:$0x3FDB];
	_ =	sdelay $0x1  }
0x99: {  	s4 =	simm.s32 $_scs_section_size  }
0x9a: {  	s5 =	simm.s32 $_size__tile_overlayer_lowered;
	s6 =	simm.s32 $_tile_overlayer_lowered  }
0x9b: {  	s22 =	simm.s32 $0x1BFF;
	s21 =	sshll.u32 s6, $0x1;
	s3 =	sadd.s32 s4, s19  }
0x9c: {  	s7 =	simm.s32 $0x0;
	s20 =	sshll.u32 s5, $0x1;
	s5 =	sadd.s32 s21, s3  }
0x9d: {  	[timem:s7], [sflag:s22] =	dma.local [hbm:s5], s20  }
0x9e: {  	_ =	swait.ge [sflag:s22], s20  }
0x9f: {  	s4 =	ssub.s32 $0x0, s20;
	[sflag:s22] =	ssyncset.done $0x0  }
0xa0: {  	[sflag:s22] =	ssyncadd.s32 s4;
	_ =	sdelay $0x1  }
0xa1: {  	s23 =	simm.s32 $0x1B8B  }
0xa2: {  	_ =	swait.ge [sflag:s23], $0x1  }
0xa3: {  	[sflag:s23] =	ssyncset.done $0x0  }
0xa4: {  	s25 =	simm.s32 $0x1B8E;
	s24 =	sld [smem:$0x3FFE];
	[sflag:s23] =	ssyncadd.s32 $0xFFFFFFFF  }
0xa5: {  	s26 =	simm.s32 $execute0_lowered;
	[smem:$0x3FD2] =	sst s25  }
0xa6: {  	s5 =	sshll.u32 s26, $0x1;
	_ =	strace $0x8000004C;
	[dreg:$0x1] =	wrdreg $0xFFFFFFFF  }
0xa7: {  	s28 =	simm.s32 $_size_execute0_lowered;
	s3 =	sadd.s32 s3, s5;
	[dreg:$0x0] =	wrdreg $0x0  }
0xa8: {  	s5 =	sshll.u32 s28, $0x1;
	[dreg:$0x2] =	wrdreg s3  }
0xa9: {  	[dreg:$0x3] =	wrdreg s5  }
0xaa: {  	[dreg:$0x4] =	wrdreg $0xC0  }
0xab: {  	_ =	task [dreg:s7], $0x5FFFF  }
0xac: {  	[dreg:$0x1] =	wrdreg $0xFFFFFFFF  }
0xad: {  	[dreg:$0x0] =	wrdreg $0x60  }
0xae: {  	[dreg:$0x2] =	wrdreg s2  }
0xaf: {  	[dreg:$0x3] =	wrdreg s24  }
0xb0: {  	[dreg:$0x4] =	wrdreg $0xB7000  }
0xb1: {  	[dreg:$0x5] =	wrdreg $0x9  }
0xb2: {  	_ =	task.clear_ibuf [dreg:s7], $0x6FFFF;
	_ =	strace $0x9000004C  }
0xb3: {  	s29 =	simm.s32 $0x9;
	_ =	strace $0x8000004E  }
0xb4: {  	_ =	swait.ge [sflag:s29], $0x1  }
0xb5: {  	[sflag:s29] =	ssyncadd.s32 $0xFFFFFFFF  }
0xb6: {  	_ =	strace $0x9000004E  }
0xb7: {  	_ =	sfence  }
0xb8: {  	s30 =	sld [smem:$0x0];
	_ =	sdelay $0x2  }
0xb9: {  	s31 =	sshll.u32 s1, $0xD;
	s1 =	sshrl.u32 s1, $0x2  }
0xba: {  	s3 =	sand.u32 $0x4000, s31;
	s1 =	sadd.s32 s1, s30  }
0xbb: {  	s0 =	sor.u32 s3, s0;
	s1 =	sshll.u32 s1, $0x11  }
0xbc: {  	s0 =	sor.u32 s1, s0  }
0xbd: {  	s0 =	sadd.s32 $0x8F2B, s0  }
0xbe: {  	[sflag:s0] =	ssyncadd.remote.s32 $0x1  }
0xbf: {  	_ =	sfence.sel $0xFFFF  }
0xc0: {  	[dreg:$0x0] =	wrdreg $0xFFFFFFFF;
	(pc) =	sbr.abs _section_cstart, $3  }
0xc1: {  	[dreg:$0x1] =	wrdreg $0xFFFFFFFF  }
0xc2: {  	_ =	task.clear_ibuf [dreg:s7], $0x2FFFF;
	_ =	strace $0x9FFFFFFF  }
0xc3: {  	(tm) =	ssettm $0x7FFFFFFF  }
tec
execute0_lowered:
.L_overlay_start_1:
0x0: {  	(tag) =	ssettag $0x1  }
0x1: {  	s1 =	rddreg [dreg:$0x0]  }
0x2: {  	s0 =	rddreg [dreg:$0x1]  }
0x3: {  	s2 =	rddreg [dreg:$0x2];
	s3 =	srdreg.scid  }
0x4: {  	s4 =	simm.s32 $0x0;
	s12 =	stileid.u32;
	s28 =	simm.s32 $0x3F00  }
0x5: {  	s29 =	simm.s32 $0x7B00;
	s30 =	simm.s32 $0xA;
	s31 =	simm.s32 $0x1  }
0x6: {  	s3 =	sand.u32 $0x1, s3;
	[smem:$0x7FF] =	sst s4;
	s6 =	smul.u32 $0x13C00, s12  }
0x7: {  	s7 =	sshll.u32 s12, $0x1;
	s8 =	sadd.s32 $0xE200, s0;
	s20 =	smul.u32 $0x4F000, s12  }
0x8: {  	s9 =	sadd.s32 $0x3800, s0;
	s10 =	sadd.s32 $0x18C00, s0;
	s22 =	smul.u32 $0x1E, s12  }
0x9: {  	s23 =	sshll.u32 s12, $0x6;
	s5 =	smul.u32 $0x13C000, s3;
	_ =	strace $0x8000004D  }
0xa: {  	s7 =	sor.u32 s3, s7;
	s14 =	ssub.s32 $0x2, s3;
	s3 =	smul.u32 $0xF, s3  }
0xb: {  	[dreg:$0x6] =	wrdreg s10;
	s10 =	simm.s32 $0x0;
	s13 =	smul.u32 $0x78, s7  }
0xc: {  	s11 =	sshrl.u32 s14, $0x1;
	s7 =	smul.u32 $0xF, s7;
	s24 =	sadd.s32 s22, s8  }
0xd: {  	s5 =	sadd.s32 s6, s5;
	s15 =	ssub.s32 s14, s11;
	s25 =	sadd.s32 s3, s24  }
0xe: {  	s14 =	simm.s32 $0xD;
	s24 =	simm.s32 $0x9;
	s5 =	sshrl.u32 s5, $0x3  }
0xf: {  	s6 =	sshrl.u32 s13, $0x3;
	s17 =	sadd.s32 s8, s7;
	[dreg:$0x4] =	wrdreg s25  }
0x10: {  	s7 =	sadd.s32 s9, s7;
	s13 =	sor.u32 $0x1C0D, s23;
	[dreg:$0x7] =	wrdreg s17  }
0x11: {  	s23 =	simm.s32 $0x8;
	s0 =	sadd.s32 s5, s0;
	[dreg:$0x8] =	wrdreg s7  }
0x12: {  	s16 =	sadd.s32 $0x1E0, s6;
	s5 =	smax.u32 s15, $0x1;
	[dreg:$0xe] =	wrdreg s13  }
0x13: {  	s25 =	simm.s32 $0x78;
	s18 =	sadd.s32 s8, s16;
	[dreg:$0x10] =	wrdreg s5  }
0x14: {  	s6 =	sadd.s32 $0x3C0, s6;
	s19 =	sadd.s32 s9, s16;
	[dreg:$0x9] =	wrdreg s18  }
0x15: {  	s7 =	sshrl.u32 s20, $0x2;
	s21 =	sadd.s32 s8, s6;
	[dreg:$0xa] =	wrdreg s19  }
0x16: {  	s17 =	simm.s32 $0x80;
	s6 =	sadd.s32 s9, s6;
	[dreg:$0xb] =	wrdreg s21  }
0x17: {  	s20 =	simm.s32 $0x280;
	s7 =	sadd.s32 s7, s2;
	[dreg:$0xc] =	wrdreg s6  }
0x18: {  	s0 =	sadd.s32 $0x1B400, s0;
	s16 =	simm.s32 $0x180;
	[dreg:$0xd] =	wrdreg s7  }
0x19: {  	s5 =	simm.s32 $0xC;
	s8 =	simm.s32 $0x5;
	[dreg:$0xf] =	wrdreg s0  }
0x1a: {  	s6 =	sadd.s32 s22, s9;
	s18 =	simm.s32 $0x200;
	s19 =	simm.s32 $0x100  }
0x1b: {  	s22 =	simm.s32 $0x7;
	s0 =	simm.s32 $0xB;
	s7 =	simm.s32 $0x4  }
0x1c: {  	s9 =	simm.s32 $0x6;
	s26 =	sadd.s32 s3, s6;
	s3 =	simm.s32 $0x2  }
0x1d: {  	s6 =	simm.s32 $0x3;
	[dreg:$0x5] =	wrdreg s26;
	s26 =	simm.s32 $0x300  }
.LBB2_1:
0x1e: {  	s11 =	rddreg [dreg:$0x7]  }
0x1f: {  	s21 =	rddreg [dreg:$0x8]  }
0x20: {  	[tilespmem:s4], [sflag:$0x7] =	stream.linear.gather [hbm4b:s11+s4], $0x78, $0x38;
	[tilespmem:$0x1F300] =	vst v63  }
0x21: {  	s12 =	rddreg [dreg:$0x9]  }
0x22: {  	[tilespmem:s16], [sflag:$0xA] =	stream.linear.gather [hbm4b:s21+s4], $0x78, $0x38;
	[tilespmem:$0x1F300] =	vst v63  }
0x23: {  	s15 =	rddreg [dreg:$0xa]  }
0x24: {  	[tilespmem:s17], [sflag:$0x8] =	stream.linear.gather [hbm4b:s12+s4], $0x78, $0x38;
	[tilespmem:$0x1F300] =	vst v63  }
0x25: {  	s21 =	rddreg [dreg:$0xb]  }
0x26: {  	[tilespmem:s18], [sflag:$0xB] =	stream.linear.gather [hbm4b:s15+s4], $0x78, $0x38;
	[tilespmem:$0x1F300] =	vst v63  }
0x27: {  	s12 =	rddreg [dreg:$0xc]  }
0x28: {  	[tilespmem:s19], [sflag:$0x9] =	stream.linear.gather [hbm4b:s21+s4], $0x78, $0x38;
	[tilespmem:$0x1F300] =	vst v63  }
0x29: {  	s15 =	rddreg [dreg:$0xd]  }
0x2a: {  	[tilespmem:s20], [sflag:$0xC] =	stream.linear.gather [hbm4b:s12+s4], $0x78, $0x38;
	[tilespmem:$0x1F300] =	vst v63  }
0x2b: {  	s11 =	sshrl.u32 s15, $0x3;
	s12 =	rddreg [dreg:$0x6]  }
0x2c: {  	[spmem:s11], [sflag:s13] =	dma.local [hbm:s12], $0x2780  }
0x2d: {  	_ =	swait.ge [sflag:s14], $0x2780  }
0x2e: {  	[sflag:s14] =	ssyncset.done $0x0  }
0x2f: {  	[sflag:s14] =	ssyncadd.s32 $0xFFFFD880  }
0x30: {  	[bflag:$0x0] =	sbarrier.arrive $0xFFFF  }
0x31: {  	_ =	swait.ge [sflag:s22], $0x78  }
0x32: {  	[sflag:s22] =	ssyncset.done $0x0  }
0x33: {  	[sflag:s22] =	ssyncadd.s32 $0xFFFFFF88  }
0x34: {  	_ =	swait.ge [sflag:s23], $0x78  }
0x35: {  	[sflag:s23] =	ssyncset.done $0x0  }
0x36: {  	[sflag:s23] =	ssyncadd.s32 $0xFFFFFF88  }
0x37: {  	_ =	swait.ge [sflag:s24], $0x78  }
0x38: {  	[sflag:s24] =	ssyncset.done $0x0  }
0x39: {  	[sflag:s24] =	ssyncadd.s32 $0xFFFFFF88  }
0x3a: {  	[tilespmem:s26], [sflag:$0x1] =	stream.indirect.gather [hbm4b:s1+s25], $0x80, s4, s25, $0xb8;
	[tilespmem:$0x1F300] =	vst v63  }
0x3b: {  	_ = 	snop  }
0x3c: {  	[tilespmem:s28], [sflag:$0x2] =	stream.indirect.gather [hbm4b:s1+s25], $0x80, s17, s25, $0xb8;
	[tilespmem:$0x1F300] =	vst v63  }
0x3d: {  	_ = 	snop  }
0x3e: {  	[tilespmem:s29], [sflag:$0x3] =	stream.indirect.gather [hbm4b:s1+s25], $0x80, s19, s25, $0xb8;
	[tilespmem:$0x1F300] =	vst v63  }
0x3f: {  	_ =	swait.ge [sflag:s30], $0x78  }
0x40: {  	[sflag:s30] =	ssyncset.done $0x0  }
0x41: {  	[sflag:s30] =	ssyncadd.s32 $0xFFFFFF88  }
0x42: {  	_ =	swait.ge [sflag:s31], $0x3C00  }
0x43: {  	[sflag:s31] =	ssyncset.done $0x0  }
0x44: {  	[sflag:s31] =	ssyncadd.s32 $0xFFFFC400  }
0x45: {  	_ =	swait.ge [sflag:s0], $0x78  }
0x46: {  	[sflag:s0] =	ssyncset.done $0x0  }
0x47: {  	[sflag:s0] =	ssyncadd.s32 $0xFFFFFF88  }
0x48: {  	_ =	swait.ge [sflag:s3], $0x3C00  }
0x49: {  	[sflag:s3] =	ssyncset.done $0x0  }
0x4a: {  	[sflag:s3] =	ssyncadd.s32 $0xFFFFC400  }
0x4b: {  	_ =	swait.ge [sflag:s5], $0x78  }
0x4c: {  	[sflag:s5] =	ssyncset.done $0x0  }
0x4d: {  	[sflag:s5] =	ssyncadd.s32 $0xFFFFFF88  }
0x4e: {  	_ =	swait.ge [sflag:s6], $0x3C00  }
0x4f: {  	[sflag:s6] =	ssyncset.done $0x0  }
0x50: {  	[sflag:s6] =	ssyncadd.s32 $0xFFFFC400  }
0x51: {  	[spmem:s2] =	stream.indirect.scatter.add.f32 [tilespmem:s26], [sflag:$0x4], $0x80, s16, s25, $0xb8;
	[tilespmem:$0x1F300] =	vst v63  }
0x52: {  	_ = 	snop  }
0x53: {  	[spmem:s2] =	stream.indirect.scatter.add.f32 [tilespmem:s28], [sflag:$0x5], $0x80, s18, s25, $0xb8;
	[tilespmem:$0x1F300] =	vst v63  }
0x54: {  	_ = 	snop  }
0x55: {  	[spmem:s2] =	stream.indirect.scatter.add.f32 [tilespmem:s29], [sflag:$0x6], $0x80, s20, s25, $0xb8;
	[tilespmem:$0x1F300] =	vst v63  }
0x56: {  	_ =	swait.ge [sflag:s7], $0x3C00  }
0x57: {  	s21 =	rddreg [dreg:$0x4]  }
0x58: {  	s13 =	rddreg [dreg:$0x5];
	[sflag:s7] =	ssyncset.done $0x0;
	s12 =	sadd.s32 $0x0, s21  }
0x59: {  	[sflag:s7] =	ssyncadd.s32 $0xFFFFC400;
	s14 =	sadd.s32 $0x0, s13;
	s15 =	sadd.s32 $0x5A0, s12  }
0x5a: {  	[tilespmem:s4], [sflag:$0x7] =	stream.linear.gather [hbm4b:s15+s4], $0x78, $0x38;
	[tilespmem:$0x1F300] =	vst v63  }
0x5b: {  	s21 =	sadd.s32 $0x5A0, s14  }
0x5c: {  	[tilespmem:s16], [sflag:$0xA] =	stream.linear.gather [hbm4b:s21+s4], $0x78, $0x38;
	[tilespmem:$0x1F300] =	vst v63  }
0x5d: {  	_ =	swait.ge [sflag:s8], $0x3C00  }
0x5e: {  	[sflag:s8] =	ssyncset.done $0x0  }
0x5f: {  	s13 =	sadd.s32 $0x780, s12;
	[sflag:s8] =	ssyncadd.s32 $0xFFFFC400  }
0x60: {  	[tilespmem:s17], [sflag:$0x8] =	stream.linear.gather [hbm4b:s13+s4], $0x78, $0x38;
	[tilespmem:$0x1F300] =	vst v63  }
0x61: {  	s21 =	sadd.s32 $0x780, s14  }
0x62: {  	[tilespmem:s18], [sflag:$0xB] =	stream.linear.gather [hbm4b:s21+s4], $0x78, $0x38;
	[tilespmem:$0x1F300] =	vst v63  }
0x63: {  	_ =	swait.ge [sflag:s9], $0x3C00  }
0x64: {  	[sflag:s9] =	ssyncset.done $0x0  }
0x65: {  	s12 =	sadd.s32 $0x960, s12;
	[sflag:s9] =	ssyncadd.s32 $0xFFFFC400  }
0x66: {  	[tilespmem:s19], [sflag:$0x9] =	stream.linear.gather [hbm4b:s12+s4], $0x78, $0x38;
	[tilespmem:$0x1F300] =	vst v63  }
0x67: {  	s15 =	sadd.s32 $0x960, s14;
	s12 =	simm.s32 $0x5A0  }
.LBB2_2:
0x68: {  	[tilespmem:s20], [sflag:$0xC] =	stream.linear.gather [hbm4b:s15+s4], $0x78, $0x38;
	[tilespmem:$0x1F300] =	vst v63  }
0x69: {  	_ =	swait.ge [sflag:s22], $0x78  }
0x6a: {  	[sflag:s22] =	ssyncset.done $0x0  }
0x6b: {  	[sflag:s22] =	ssyncadd.s32 $0xFFFFFF88  }
0x6c: {  	_ =	swait.ge [sflag:s23], $0x78  }
0x6d: {  	[sflag:s23] =	ssyncset.done $0x0  }
0x6e: {  	[sflag:s23] =	ssyncadd.s32 $0xFFFFFF88  }
0x6f: {  	_ =	swait.ge [sflag:s24], $0x78  }
0x70: {  	[sflag:s24] =	ssyncset.done $0x0  }
0x71: {  	[sflag:s24] =	ssyncadd.s32 $0xFFFFFF88  }
0x72: {  	[tilespmem:s26], [sflag:$0x1] =	stream.indirect.gather [hbm4b:s1+s25], $0x80, s4, s25, $0xb8;
	[tilespmem:$0x1F300] =	vst v63  }
0x73: {  	_ = 	snop  }
0x74: {  	[tilespmem:s28], [sflag:$0x2] =	stream.indirect.gather [hbm4b:s1+s25], $0x80, s17, s25, $0xb8;
	[tilespmem:$0x1F300] =	vst v63  }
0x75: {  	_ = 	snop  }
0x76: {  	[tilespmem:s29], [sflag:$0x3] =	stream.indirect.gather [hbm4b:s1+s25], $0x80, s19, s25, $0xb8;
	[tilespmem:$0x1F300] =	vst v63  }
0x77: {  	_ =	swait.ge [sflag:s30], $0x78  }
0x78: {  	[sflag:s30] =	ssyncset.done $0x0  }
0x79: {  	[sflag:s30] =	ssyncadd.s32 $0xFFFFFF88  }
0x7a: {  	_ =	swait.ge [sflag:s31], $0x3C00  }
0x7b: {  	[sflag:s31] =	ssyncset.done $0x0  }
0x7c: {  	[sflag:s31] =	ssyncadd.s32 $0xFFFFC400  }
0x7d: {  	_ =	swait.ge [sflag:s0], $0x78  }
0x7e: {  	[sflag:s0] =	ssyncset.done $0x0  }
0x7f: {  	[sflag:s0] =	ssyncadd.s32 $0xFFFFFF88  }
0x80: {  	_ =	swait.ge [sflag:s3], $0x3C00  }
0x81: {  	[sflag:s3] =	ssyncset.done $0x0  }
0x82: {  	[sflag:s3] =	ssyncadd.s32 $0xFFFFC400  }
0x83: {  	_ =	swait.ge [sflag:s5], $0x78  }
0x84: {  	[sflag:s5] =	ssyncset.done $0x0  }
0x85: {  	[sflag:s5] =	ssyncadd.s32 $0xFFFFFF88  }
0x86: {  	_ =	swait.ge [sflag:s6], $0x3C00  }
0x87: {  	[sflag:s6] =	ssyncset.done $0x0  }
0x88: {  	[sflag:s6] =	ssyncadd.s32 $0xFFFFC400  }
0x89: {  	[spmem:s2] =	stream.indirect.scatter.add.f32 [tilespmem:s26], [sflag:$0x4], $0x80, s16, s25, $0xb8;
	[tilespmem:$0x1F300] =	vst v63  }
0x8a: {  	_ = 	snop  }
0x8b: {  	[spmem:s2] =	stream.indirect.scatter.add.f32 [tilespmem:s28], [sflag:$0x5], $0x80, s18, s25, $0xb8;
	[tilespmem:$0x1F300] =	vst v63  }
0x8c: {  	_ = 	snop  }
0x8d: {  	[spmem:s2] =	stream.indirect.scatter.add.f32 [tilespmem:s29], [sflag:$0x6], $0x80, s20, s25, $0xb8;
	[tilespmem:$0x1F300] =	vst v63  }
0x8e: {  	_ =	swait.ge [sflag:s7], $0x3C00  }
0x8f: {  	s14 =	smov.u32 s12;
	s21 =	rddreg [dreg:$0x4]  }
0x90: {  	s13 =	rddreg [dreg:$0x5];
	[sflag:s7] =	ssyncset.done $0x0;
	s15 =	sadd.s32 s14, s21  }
0x91: {  	[sflag:s7] =	ssyncadd.s32 $0xFFFFC400;
	s13 =	sadd.s32 s14, s13;
	s21 =	sadd.s32 $0x5A0, s15  }
0x92: {  	[tilespmem:s4], [sflag:$0x7] =	stream.linear.gather [hbm4b:s21+s4], $0x78, $0x38;
	[tilespmem:$0x1F300] =	vst v63  }
0x93: {  	s14 =	sadd.s32 $0x5A0, s13  }
0x94: {  	[tilespmem:s16], [sflag:$0xA] =	stream.linear.gather [hbm4b:s14+s4], $0x78, $0x38;
	[tilespmem:$0x1F300] =	vst v63  }
0x95: {  	_ =	swait.ge [sflag:s8], $0x3C00  }
0x96: {  	[sflag:s8] =	ssyncset.done $0x0  }
0x97: {  	s14 =	sadd.s32 $0x780, s15;
	[sflag:s8] =	ssyncadd.s32 $0xFFFFC400  }
0x98: {  	[tilespmem:s17], [sflag:$0x8] =	stream.linear.gather [hbm4b:s14+s4], $0x78, $0x38;
	[tilespmem:$0x1F300] =	vst v63  }
0x99: {  	p0 =	sne.s32 s12, $0x97E0;
	s21 =	sadd.s32 $0x780, s13  }
0x9a: {  	[tilespmem:s18], [sflag:$0xB] =	stream.linear.gather [hbm4b:s21+s4], $0x78, $0x38;
	[tilespmem:$0x1F300] =	vst v63  }
.Ltmp0:
0x9b: {  	_ = 	snop;
	(pc) =	sbr.rel @p0 .LBB2_2-.Ltmp0, $4  }
0x9c: {  	_ =	swait.ge [sflag:s9], $0x3C00  }
0x9d: {  	s12 =	sadd.s32 $0x5A0, s12;
	[sflag:s9] =	ssyncset.done $0x0  }
0x9e: {  	s21 =	sadd.s32 $0x960, s15;
	s15 =	sadd.s32 $0x960, s13;
	[sflag:s9] =	ssyncadd.s32 $0xFFFFC400  }
0x9f: {  	[tilespmem:s19], [sflag:$0x9] =	stream.linear.gather [hbm4b:s21+s4], $0x78, $0x38;
	[tilespmem:$0x1F300] =	vst v63  }
0xa0: {  	[tilespmem:s20], [sflag:$0xC] =	stream.linear.gather [hbm4b:s15+s4], $0x78, $0x38;
	[tilespmem:$0x1F300] =	vst v63  }
0xa1: {  	_ =	swait.ge [sflag:s22], $0x78  }
0xa2: {  	[sflag:s22] =	ssyncset.done $0x0  }
0xa3: {  	[sflag:s22] =	ssyncadd.s32 $0xFFFFFF88  }
0xa4: {  	_ =	swait.ge [sflag:s30], $0x78  }
0xa5: {  	[sflag:s30] =	ssyncset.done $0x0  }
0xa6: {  	[sflag:s30] =	ssyncadd.s32 $0xFFFFFF88  }
0xa7: {  	_ =	swait.ge [sflag:s23], $0x78  }
0xa8: {  	[sflag:s23] =	ssyncset.done $0x0  }
0xa9: {  	[sflag:s23] =	ssyncadd.s32 $0xFFFFFF88  }
0xaa: {  	_ =	swait.ge [sflag:s0], $0x78  }
0xab: {  	[sflag:s0] =	ssyncset.done $0x0  }
0xac: {  	[sflag:s0] =	ssyncadd.s32 $0xFFFFFF88  }
0xad: {  	_ =	swait.ge [sflag:s24], $0x78  }
0xae: {  	[sflag:s24] =	ssyncset.done $0x0  }
0xaf: {  	[sflag:s24] =	ssyncadd.s32 $0xFFFFFF88  }
0xb0: {  	_ =	swait.ge [sflag:s5], $0x78  }
0xb1: {  	[sflag:s5] =	ssyncset.done $0x0  }
0xb2: {  	[sflag:s5] =	ssyncadd.s32 $0xFFFFFF88  }
0xb3: {  	[bflag:$0x0] =	sbarrier.arrive $0xFFFF  }
0xb4: {  	s13 =	rddreg [dreg:$0xe]  }
0xb5: {  	s14 =	simm.s32 $0xD;
	s12 =	rddreg [dreg:$0xf]  }
0xb6: {  	[hbm:s12], [sflag:s13] =	dma.local [spmem:s11], $0x2780  }
0xb7: {  	_ =	swait.ge [sflag:s14], $0x2780  }
0xb8: {  	s10 =	sadd.s32 $0x1, s10;
	s21 =	rddreg [dreg:$0x10]  }
0xb9: {  	p0 =	sne.s32 s10, s21  }
.Ltmp1:
0xba: {  	_ = 	snop;
	(pc) =	sbr.rel @p0 .LBB2_1-.Ltmp1, $3  }
0xbb: {  	_ =	sdelay $0x1  }
0xbc: {  	[sflag:s14] =	ssyncset.done $0x0  }
0xbd: {  	[sflag:s14] =	ssyncadd.s32 $0xFFFFD880  }
0xbe: {  	_ =	sfence.sel $0x180000  }
0xbf: {  	[bflag:$0x0] =	sbarrier.arrive $0xFFFF  }
0xc0: {  	_ =	strace $0x9000004D  }
0xc1: {  	s0 =	stileid.u32;
	[bflag:$0x2] =	sbarrier.arrive $0xFFFF  }
0xc2: {  	p0 =	sne.s32 s0, $0x0;
	s0 =	rddreg [dreg:$0x3]  }
0xc3: {  	s0 =	sadd.s32 @!p0 $0x100000, s0  }
0xc4: {  	[sflag:s0] =	ssyncadd.tile.s32 @!p0 $0x1;
	_ =	shalt  }
.Lfunc_end2:
_tile_overlayer_lowered:
.L_overlay_start_2:
0xc5: {  	(tag) =	ssettag $0x2  }
0xc6: {  	s0 =	rddreg [dreg:$0x0];
	s2 =	stileid.u32  }
0xc7: {  	s1 =	rddreg [dreg:$0x1];
	p0 =	sne.s32 s2, $0x0  }
0xc8: {  	s3 =	rddreg [dreg:$0x2];
	[bflag:$0x3] =	sbarrier.arrive $0xFFFF;
	s2 =	simm.s32 @!p0 $0x1C0D  }
0xc9: {  	[timem:s3], [sflag:s2] =	dma.local @!p0 [hbm:s0], s1  }
0xca: {  	s0 =	simm.s32 @!p0 $0xD  }
0xcb: {  	_ =	swait.ge @!p0 [sflag:s0], s1  }
0xcc: {  	s1 =	ssub.s32 @!p0 $0x0, s1;
	[sflag:s0] =	ssyncset.done @!p0 $0x0  }
0xcd: {  	[sflag:s0] =	ssyncadd.s32 @!p0 s1  }
0xce: {  	[bflag:$0x3] =	sbarrier.arrive $0xFFFF  }
0xcf: {  	_ =	shalt  }

// kernel: kernel.9.cloned.1.call-start
scs
__scs_entry_jumppad:
0x0: {  	(pc) =	sbr.rel $0x88, $3  }
0x1: {  	(tag) =	ssettag $0x0;
	lr =	simm.s32 $0x1  }
0x2: {  	[smem:$0x3F96] =	sst lr;
	_ =	strace $0xD0000000  }
0x3: {  	_ = 	snop  }
0x4: {  	_ = 	snop  }
0x5: {  	_ = 	snop  }
0x6: {  	_ = 	snop  }
0x7: {  	_ = 	snop  }
__scs_overlays_trampoline_lowered:
0x8: {  	[smem:$0x3FA5] =	sst s0  }
0x9: {  	[smem:$0x3FA6] =	sst s1  }
0xa: {  	[smem:$0x3FA7] =	sst s2  }
0xb: {  	[smem:$0x3FA8] =	sst s3  }
0xc: {  	[smem:$0x3FA9] =	sst s4  }
0xd: {  	[smem:$0x3FAA] =	sst s5  }
0xe: {  	[smem:$0x3FAB] =	sst s6  }
0xf: {  	[smem:$0x3FAC] =	sst s7  }
0x10: {  	[smem:$0x3FAD] =	sst s8  }
0x11: {  	[smem:$0x3FAE] =	sst s9;
	s0 =	simm.s32 @!p0 $0x0  }
0x12: {  	s1 =	sld [smem:$0x3F94];
	s0 =	simm.s32 @p0 $0x1  }
0x13: {  	[smem:$0x3FAF] =	sst s0;
	s0 =	simm.s32 @!p1 $0x0  }
0x14: {  	s2 =	sld [smem:$0x3F93];
	s0 =	simm.s32 @p1 $0x1  }
0x15: {  	[smem:$0x3FB0] =	sst s0;
	s0 =	simm.s32 @!p2 $0x0  }
0x16: {  	s3 =	sld [smem:$0x3FDB];
	s0 =	simm.s32 @p2 $0x1  }
0x17: {  	s4 =	simm.s32 $0x1BF5;
	[smem:$0x3FB2] =	sst s0  }
0x18: {  	s0 =	sld [smem:$0x3F95];
	_ =	swait.ge [sflag:s4], $0x0  }
0x19: {  	s7 =	sld [smem:$0x3F96]  }
0x1a: {  	s8 =	sadd.s32 $0xFFFFE003, lr  }
0x1b: {  	s9 =	sadd.s32 $0xFFFFFEF7, lr;
	s5 =	simm.s32 $0xFFFFFFFF;
	p2 =	slt.u32 s8, $0xFFFFF086  }
0x1c: {  	p1 =	slt.u32 s9, $0xF7A;
	s5 =	simm.s32 @!p2 $0x0  }
0x1d: {  	s5 =	simm.s32 @p1 $0x1;
	p0 =	seq.s32 s7, s2  }
0x1e: {  	s7 =	smul.u32 @!p0 $0xF7A, s2;
	p2 =	seq.s32 @!p0 s5, $0x0  }
0x1f: {  	s9 =	smul.u32 $0xF7A, s1;
	s8 =	simm.s32 @!p0 $0x1BF5;
	p2 =	por !p2, p0  }
0x20: {  	[sflag:s8] =	ssyncset.s32 @!p0 $0xFFFFF086;
	s6 =	sadd.s32 @!p0 s3, s7;
	s7 =	simm.s32 @!p0 $0x108  }
0x21: {  	s3 =	sadd.s32 s3, s9;
	s6 =	sadd.s32 @!p0 $0x88, s6;
	s7 =	simm.s32 @p2 $0x1082  }
0x22: {  	[simem:s7], [sflag:s8] =	dma.local @!p0 [hbm:s6], $0xF7A  }
0x23: {  	s9 =	sor.u32 $0xD0000000, s2;
	s6 =	simm.s32 $0x108;
	_ =	swait.ge @!p0 [sflag:s8], $0x0  }
0x24: {  	s3 =	sadd.s32 $0x88, s3;
	s6 =	simm.s32 @!p1 $0x1082;
	[sflag:s4] =	ssyncset.s32 $0xFFFFF086  }
0x25: {  	[simem:s6], [sflag:s4] =	dma.local [hbm:s3], $0xF7A  }
0x26: {  	[smem:$0x3F96] =	sst s1;
	(tag) =	ssettag s2;
	_ =	strace s9  }
0x27: {  	s1 =	sld [smem:$0x3FA6]  }
0x28: {  	s2 =	sld [smem:$0x3FA7]  }
0x29: {  	s4 =	sld [smem:$0x3FA9]  }
0x2a: {  	p0 =	seq.s32 s5, $0x0;
	s5 =	sld [smem:$0x3FAA]  }
0x2b: {  	s6 =	sld [smem:$0x3FAB]  }
0x2c: {  	s7 =	sld [smem:$0x3FAC]  }
0x2d: {  	s3 =	simm.s32 $0x108;
	s8 =	sld [smem:$0x3FAD]  }
0x2e: {  	s3 =	simm.s32 @!p0 $0x1082;
	s9 =	sld [smem:$0x3FAE]  }
0x2f: {  	lr =	sadd.s32 s0, s3;
	s0 =	sld [smem:$0x3FA5]  }
0x30: {  	s3 =	sld [smem:$0x3FA8]  }
0x31: {  	[smem:$0x3FB1] =	sst s10  }
0x32: {  	s10 =	sld [smem:$0x3FAF];
	_ =	sdelay $0x3  }
0x33: {  	p0 =	seq.s32 s10, $0x1;
	s10 =	sld [smem:$0x3FB1];
	_ =	sdelay $0x3  }
0x34: {  	[smem:$0x3FB1] =	sst s10  }
0x35: {  	s10 =	sld [smem:$0x3FB0];
	_ =	sdelay $0x3  }
0x36: {  	p1 =	seq.s32 s10, $0x1;
	s10 =	sld [smem:$0x3FB1];
	_ =	sdelay $0x3  }
0x37: {  	[smem:$0x3FB1] =	sst s10  }
0x38: {  	s10 =	sld [smem:$0x3FB2]  }
0x39: {  	_ = 	snop;
	(pc) =	sbr.ind lr, $3  }
0x3a: {  	_ = 	snop  }
0x3b: {  	_ = 	snop  }
0x3c: {  	p2 =	seq.s32 s10, $0x1;
	s10 =	sld [smem:$0x3FB1]  }
0x3d: {  	_ =	shalt  }
0x3e: {  	_ =	shalt  }
0x3f: {  	_ =	shalt  }
0x40: {  	_ =	shalt  }
0x41: {  	_ =	shalt  }
0x42: {  	_ =	shalt  }
0x43: {  	_ =	shalt  }
0x44: {  	_ =	shalt  }
0x45: {  	_ =	shalt  }
0x46: {  	_ =	shalt  }
0x47: {  	_ =	shalt  }
0x48: {  	_ =	shalt  }
0x49: {  	_ =	shalt  }
0x4a: {  	_ =	shalt  }
0x4b: {  	_ =	shalt  }
0x4c: {  	_ =	shalt  }
0x4d: {  	_ =	shalt  }
0x4e: {  	_ =	shalt  }
0x4f: {  	_ =	shalt  }
0x50: {  	_ =	shalt  }
0x51: {  	_ =	shalt  }
0x52: {  	_ =	shalt  }
0x53: {  	_ =	shalt  }
0x54: {  	_ =	shalt  }
0x55: {  	_ =	shalt  }
0x56: {  	_ =	shalt  }
0x57: {  	_ =	shalt  }
0x58: {  	_ =	shalt  }
0x59: {  	_ =	shalt  }
0x5a: {  	_ =	shalt  }
0x5b: {  	_ =	shalt  }
0x5c: {  	_ =	shalt  }
0x5d: {  	_ =	shalt  }
0x5e: {  	_ =	shalt  }
0x5f: {  	_ =	shalt  }
0x60: {  	_ =	shalt  }
0x61: {  	_ =	shalt  }
0x62: {  	_ =	shalt  }
0x63: {  	_ =	shalt  }
0x64: {  	_ =	shalt  }
0x65: {  	_ =	shalt  }
0x66: {  	_ =	shalt  }
0x67: {  	_ =	shalt  }
0x68: {  	_ =	shalt  }
0x69: {  	_ =	shalt  }
0x6a: {  	_ =	shalt  }
0x6b: {  	_ =	shalt  }
0x6c: {  	_ =	shalt  }
0x6d: {  	_ =	shalt  }
0x6e: {  	_ =	shalt  }
0x6f: {  	_ =	shalt  }
0x70: {  	_ =	shalt  }
0x71: {  	_ =	shalt  }
0x72: {  	_ =	shalt  }
0x73: {  	_ =	shalt  }
0x74: {  	_ =	shalt  }
0x75: {  	_ =	shalt  }
0x76: {  	_ =	shalt  }
0x77: {  	_ =	shalt  }
0x78: {  	_ =	shalt  }
0x79: {  	_ =	shalt  }
0x7a: {  	_ =	shalt  }
0x7b: {  	_ =	shalt  }
0x7c: {  	_ =	shalt  }
0x7d: {  	_ =	shalt  }
0x7e: {  	_ =	shalt  }
0x7f: {  	_ =	shalt  }
0x80: {  	_ =	shalt  }
0x81: {  	_ =	shalt  }
0x82: {  	_ =	shalt  }
0x83: {  	_ =	shalt  }
0x84: {  	_ =	shalt  }
0x85: {  	_ =	shalt  }
0x86: {  	_ =	shalt  }
0x87: {  	_ =	shalt  }
.Lfunc_end0:
.L_simem_size_0:
called_computation_lowered:
.L_overlay_start_0:
0x88: {  	s2 =	sld [smem:$0x3FD9]  }
0x89: {  	s3 =	sld [smem:$0x3FFE];
	_ =	sdelay $0x1  }
0x8a: {  	s1 =	srdreg.scid  }
0x8b: {  	s0 =	sand.u32 $0x1, s1  }
0x8c: {  	s17 =	sshll.u32 s0, $0xA;
	s2 =	sadd.s32 s3, s2  }
0x8d: {  	s2 =	sadd.s32 s2, s17  }
0x8e: {  	[smem:$0x3FBD] =	sst s2  }
0x8f: {  	_ = 	snop  }
0x90: {  	s2 =	sld [smem:$0x3FD0];
	(tm) =	ssettm $0x1  }
0x91: {  	s18 =	sld [smem:$0x3FFB];
	_ =	sdelay $0x3  }
0x92: {  	_ =	strace s18  }
0x93: {  	s3 =	sld [smem:$0x3FFC];
	_ =	sdelay $0x3  }
0x94: {  	_ =	strace s3  }
0x95: {  	s3 =	sld [smem:$0x3FFD];
	_ =	sdelay $0x3  }
0x96: {  	_ =	strace s3  }
0x97: {  	_ =	strace $0x8FFFFFFF  }
0x98: {  	s19 =	sld [smem:$0x3FDB];
	_ =	sdelay $0x1  }
0x99: {  	s4 =	simm.s32 $_scs_section_size  }
0x9a: {  	s5 =	simm.s32 $_size__tile_overlayer_lowered;
	s6 =	simm.s32 $_tile_overlayer_lowered  }
0x9b: {  	s22 =	simm.s32 $0x1BFF;
	s21 =	sshll.u32 s6, $0x1;
	s3 =	sadd.s32 s4, s19  }
0x9c: {  	s7 =	simm.s32 $0x0;
	s20 =	sshll.u32 s5, $0x1;
	s5 =	sadd.s32 s21, s3  }
0x9d: {  	[timem:s7], [sflag:s22] =	dma.local [hbm:s5], s20  }
0x9e: {  	_ =	swait.ge [sflag:s22], s20  }
0x9f: {  	s4 =	ssub.s32 $0x0, s20;
	[sflag:s22] =	ssyncset.done $0x0  }
0xa0: {  	[sflag:s22] =	ssyncadd.s32 s4;
	_ =	sdelay $0x1  }
0xa1: {  	s23 =	simm.s32 $0x1B8B  }
0xa2: {  	_ =	swait.ge [sflag:s23], $0x1  }
0xa3: {  	[sflag:s23] =	ssyncset.done $0x0  }
0xa4: {  	s25 =	simm.s32 $0x1B8E;
	s24 =	sld [smem:$0x3FFE];
	[sflag:s23] =	ssyncadd.s32 $0xFFFFFFFF  }
0xa5: {  	s26 =	simm.s32 $execute0_lowered;
	[smem:$0x3FD2] =	sst s25  }
0xa6: {  	s5 =	sshll.u32 s26, $0x1;
	_ =	strace $0x80000046;
	[dreg:$0x1] =	wrdreg $0xFFFFFFFF  }
0xa7: {  	s28 =	simm.s32 $_size_execute0_lowered;
	s3 =	sadd.s32 s3, s5;
	[dreg:$0x0] =	wrdreg $0x0  }
0xa8: {  	s5 =	sshll.u32 s28, $0x1;
	[dreg:$0x2] =	wrdreg s3  }
0xa9: {  	[dreg:$0x3] =	wrdreg s5  }
0xaa: {  	[dreg:$0x4] =	wrdreg $0xC0  }
0xab: {  	_ =	task [dreg:s7], $0x5FFFF  }
0xac: {  	[dreg:$0x1] =	wrdreg $0xFFFFFFFF  }
0xad: {  	[dreg:$0x0] =	wrdreg $0x60  }
0xae: {  	[dreg:$0x2] =	wrdreg s2  }
0xaf: {  	[dreg:$0x3] =	wrdreg s24  }
0xb0: {  	[dreg:$0x4] =	wrdreg $0xB7000  }
0xb1: {  	[dreg:$0x5] =	wrdreg $0x9  }
0xb2: {  	_ =	task.clear_ibuf [dreg:s7], $0x6FFFF;
	_ =	strace $0x90000046  }
0xb3: {  	s29 =	simm.s32 $0x9;
	_ =	strace $0x80000048  }
0xb4: {  	_ =	swait.ge [sflag:s29], $0x1  }
0xb5: {  	[sflag:s29] =	ssyncadd.s32 $0xFFFFFFFF  }
0xb6: {  	_ =	strace $0x90000048  }
0xb7: {  	_ =	sfence  }
0xb8: {  	s30 =	sld [smem:$0x0];
	_ =	sdelay $0x2  }
0xb9: {  	s31 =	sshll.u32 s1, $0xD;
	s1 =	sshrl.u32 s1, $0x2  }
0xba: {  	s3 =	sand.u32 $0x4000, s31;
	s1 =	sadd.s32 s1, s30  }
0xbb: {  	s0 =	sor.u32 s3, s0;
	s1 =	sshll.u32 s1, $0x11  }
0xbc: {  	s0 =	sor.u32 s1, s0  }
0xbd: {  	s0 =	sadd.s32 $0x8F2B, s0  }
0xbe: {  	[sflag:s0] =	ssyncadd.remote.s32 $0x1  }
0xbf: {  	_ =	sfence.sel $0xFFFF  }
0xc0: {  	[dreg:$0x0] =	wrdreg $0xFFFFFFFF;
	(pc) =	sbr.abs _section_cstart, $3  }
0xc1: {  	[dreg:$0x1] =	wrdreg $0xFFFFFFFF  }
0xc2: {  	_ =	task.clear_ibuf [dreg:s7], $0x2FFFF;
	_ =	strace $0x9FFFFFFF  }
0xc3: {  	(tm) =	ssettm $0x7FFFFFFF  }
tec
execute0_lowered:
.L_overlay_start_1:
0x0: {  	(tag) =	ssettag $0x1  }
0x1: {  	s1 =	rddreg [dreg:$0x0]  }
0x2: {  	s0 =	rddreg [dreg:$0x1]  }
0x3: {  	s2 =	rddreg [dreg:$0x2];
	s3 =	srdreg.scid  }
0x4: {  	s4 =	simm.s32 $0x0;
	s12 =	stileid.u32;
	s28 =	simm.s32 $0x3F00  }
0x5: {  	s29 =	simm.s32 $0x7B00;
	s30 =	simm.s32 $0xA;
	s31 =	simm.s32 $0x1  }
0x6: {  	s3 =	sand.u32 $0x1, s3;
	[smem:$0x7FF] =	sst s4;
	s6 =	smul.u32 $0x13C00, s12  }
0x7: {  	s7 =	sshll.u32 s12, $0x1;
	s8 =	sadd.s32 $0xE200, s0;
	s20 =	smul.u32 $0x4F000, s12  }
0x8: {  	s9 =	sadd.s32 $0x3800, s0;
	s10 =	sadd.s32 $0x18C00, s0;
	s22 =	smul.u32 $0x1E, s12  }
0x9: {  	s23 =	sshll.u32 s12, $0x6;
	s5 =	smul.u32 $0x13C000, s3;
	_ =	strace $0x80000047  }
0xa: {  	s7 =	sor.u32 s3, s7;
	s14 =	ssub.s32 $0x2, s3;
	s3 =	smul.u32 $0xF, s3  }
0xb: {  	[dreg:$0x6] =	wrdreg s10;
	s10 =	simm.s32 $0x0;
	s13 =	smul.u32 $0x78, s7  }
0xc: {  	s11 =	sshrl.u32 s14, $0x1;
	s7 =	smul.u32 $0xF, s7;
	s24 =	sadd.s32 s22, s8  }
0xd: {  	s5 =	sadd.s32 s6, s5;
	s15 =	ssub.s32 s14, s11;
	s25 =	sadd.s32 s3, s24  }
0xe: {  	s14 =	simm.s32 $0xD;
	s24 =	simm.s32 $0x9;
	s5 =	sshrl.u32 s5, $0x3  }
0xf: {  	s6 =	sshrl.u32 s13, $0x3;
	s17 =	sadd.s32 s8, s7;
	[dreg:$0x4] =	wrdreg s25  }
0x10: {  	s7 =	sadd.s32 s9, s7;
	s13 =	sor.u32 $0x1C0D, s23;
	[dreg:$0x7] =	wrdreg s17  }
0x11: {  	s23 =	simm.s32 $0x8;
	s0 =	sadd.s32 s5, s0;
	[dreg:$0x8] =	wrdreg s7  }
0x12: {  	s16 =	sadd.s32 $0x1E0, s6;
	s5 =	smax.u32 s15, $0x1;
	[dreg:$0xe] =	wrdreg s13  }
0x13: {  	s25 =	simm.s32 $0x78;
	s18 =	sadd.s32 s8, s16;
	[dreg:$0x10] =	wrdreg s5  }
0x14: {  	s6 =	sadd.s32 $0x3C0, s6;
	s19 =	sadd.s32 s9, s16;
	[dreg:$0x9] =	wrdreg s18  }
0x15: {  	s7 =	sshrl.u32 s20, $0x2;
	s21 =	sadd.s32 s8, s6;
	[dreg:$0xa] =	wrdreg s19  }
0x16: {  	s17 =	simm.s32 $0x80;
	s6 =	sadd.s32 s9, s6;
	[dreg:$0xb] =	wrdreg s21  }
0x17: {  	s20 =	simm.s32 $0x280;
	s7 =	sadd.s32 s7, s2;
	[dreg:$0xc] =	wrdreg s6  }
0x18: {  	s0 =	sadd.s32 $0x1B400, s0;
	s16 =	simm.s32 $0x180;
	[dreg:$0xd] =	wrdreg s7  }
0x19: {  	s5 =	simm.s32 $0xC;
	s8 =	simm.s32 $0x5;
	[dreg:$0xf] =	wrdreg s0  }
0x1a: {  	s6 =	sadd.s32 s22, s9;
	s18 =	simm.s32 $0x200;
	s19 =	simm.s32 $0x100  }
0x1b: {  	s22 =	simm.s32 $0x7;
	s0 =	simm.s32 $0xB;
	s7 =	simm.s32 $0x4  }
0x1c: {  	s9 =	simm.s32 $0x6;
	s26 =	sadd.s32 s3, s6;
	s3 =	simm.s32 $0x2  }
0x1d: {  	s6 =	simm.s32 $0x3;
	[dreg:$0x5] =	wrdreg s26;
	s26 =	simm.s32 $0x300  }
.LBB2_1:
0x1e: {  	s11 =	rddreg [dreg:$0x7]  }
0x1f: {  	s21 =	rddreg [dreg:$0x8]  }
0x20: {  	[tilespmem:s4], [sflag:$0x7] =	stream.linear.gather [hbm4b:s11+s4], $0x78, $0x38;
	[tilespmem:$0x1F300] =	vst v63  }
0x21: {  	s12 =	rddreg [dreg:$0x9]  }
0x22: {  	[tilespmem:s16], [sflag:$0xA] =	stream.linear.gather [hbm4b:s21+s4], $0x78, $0x38;
	[tilespmem:$0x1F300] =	vst v63  }
0x23: {  	s15 =	rddreg [dreg:$0xa]  }
0x24: {  	[tilespmem:s17], [sflag:$0x8] =	stream.linear.gather [hbm4b:s12+s4], $0x78, $0x38;
	[tilespmem:$0x1F300] =	vst v63  }
0x25: {  	s21 =	rddreg [dreg:$0xb]  }
0x26: {  	[tilespmem:s18], [sflag:$0xB] =	stream.linear.gather [hbm4b:s15+s4], $0x78, $0x38;
	[tilespmem:$0x1F300] =	vst v63  }
0x27: {  	s12 =	rddreg [dreg:$0xc]  }
0x28: {  	[tilespmem:s19], [sflag:$0x9] =	stream.linear.gather [hbm4b:s21+s4], $0x78, $0x38;
	[tilespmem:$0x1F300] =	vst v63  }
0x29: {  	s15 =	rddreg [dreg:$0xd]  }
0x2a: {  	[tilespmem:s20], [sflag:$0xC] =	stream.linear.gather [hbm4b:s12+s4], $0x78, $0x38;
	[tilespmem:$0x1F300] =	vst v63  }
0x2b: {  	s11 =	sshrl.u32 s15, $0x3;
	s12 =	rddreg [dreg:$0x6]  }
0x2c: {  	[spmem:s11], [sflag:s13] =	dma.local [hbm:s12], $0x2780  }
0x2d: {  	_ =	swait.ge [sflag:s14], $0x2780  }
0x2e: {  	[sflag:s14] =	ssyncset.done $0x0  }
0x2f: {  	[sflag:s14] =	ssyncadd.s32 $0xFFFFD880  }
0x30: {  	[bflag:$0x0] =	sbarrier.arrive $0xFFFF  }
0x31: {  	_ =	swait.ge [sflag:s22], $0x78  }
0x32: {  	[sflag:s22] =	ssyncset.done $0x0  }
0x33: {  	[sflag:s22] =	ssyncadd.s32 $0xFFFFFF88  }
0x34: {  	_ =	swait.ge [sflag:s23], $0x78  }
0x35: {  	[sflag:s23] =	ssyncset.done $0x0  }
0x36: {  	[sflag:s23] =	ssyncadd.s32 $0xFFFFFF88  }
0x37: {  	_ =	swait.ge [sflag:s24], $0x78  }
0x38: {  	[sflag:s24] =	ssyncset.done $0x0  }
0x39: {  	[sflag:s24] =	ssyncadd.s32 $0xFFFFFF88  }
0x3a: {  	[tilespmem:s26], [sflag:$0x1] =	stream.indirect.gather [hbm4b:s1+s25], $0x80, s4, s25, $0xb8;
	[tilespmem:$0x1F300] =	vst v63  }
0x3b: {  	_ = 	snop  }
0x3c: {  	[tilespmem:s28], [sflag:$0x2] =	stream.indirect.gather [hbm4b:s1+s25], $0x80, s17, s25, $0xb8;
	[tilespmem:$0x1F300] =	vst v63  }
0x3d: {  	_ = 	snop  }
0x3e: {  	[tilespmem:s29], [sflag:$0x3] =	stream.indirect.gather [hbm4b:s1+s25], $0x80, s19, s25, $0xb8;
	[tilespmem:$0x1F300] =	vst v63  }
0x3f: {  	_ =	swait.ge [sflag:s30], $0x78  }
0x40: {  	[sflag:s30] =	ssyncset.done $0x0  }
0x41: {  	[sflag:s30] =	ssyncadd.s32 $0xFFFFFF88  }
0x42: {  	_ =	swait.ge [sflag:s31], $0x3C00  }
0x43: {  	[sflag:s31] =	ssyncset.done $0x0  }
0x44: {  	[sflag:s31] =	ssyncadd.s32 $0xFFFFC400  }
0x45: {  	_ =	swait.ge [sflag:s0], $0x78  }
0x46: {  	[sflag:s0] =	ssyncset.done $0x0  }
0x47: {  	[sflag:s0] =	ssyncadd.s32 $0xFFFFFF88  }
0x48: {  	_ =	swait.ge [sflag:s3], $0x3C00  }
0x49: {  	[sflag:s3] =	ssyncset.done $0x0  }
0x4a: {  	[sflag:s3] =	ssyncadd.s32 $0xFFFFC400  }
0x4b: {  	_ =	swait.ge [sflag:s5], $0x78  }
0x4c: {  	[sflag:s5] =	ssyncset.done $0x0  }
0x4d: {  	[sflag:s5] =	ssyncadd.s32 $0xFFFFFF88  }
0x4e: {  	_ =	swait.ge [sflag:s6], $0x3C00  }
0x4f: {  	[sflag:s6] =	ssyncset.done $0x0  }
0x50: {  	[sflag:s6] =	ssyncadd.s32 $0xFFFFC400  }
0x51: {  	[spmem:s2] =	stream.indirect.scatter.add.f32 [tilespmem:s26], [sflag:$0x4], $0x80, s16, s25, $0xb8;
	[tilespmem:$0x1F300] =	vst v63  }
0x52: {  	_ = 	snop  }
0x53: {  	[spmem:s2] =	stream.indirect.scatter.add.f32 [tilespmem:s28], [sflag:$0x5], $0x80, s18, s25, $0xb8;
	[tilespmem:$0x1F300] =	vst v63  }
0x54: {  	_ = 	snop  }
0x55: {  	[spmem:s2] =	stream.indirect.scatter.add.f32 [tilespmem:s29], [sflag:$0x6], $0x80, s20, s25, $0xb8;
	[tilespmem:$0x1F300] =	vst v63  }
0x56: {  	_ =	swait.ge [sflag:s7], $0x3C00  }
0x57: {  	s21 =	rddreg [dreg:$0x4]  }
0x58: {  	s13 =	rddreg [dreg:$0x5];
	[sflag:s7] =	ssyncset.done $0x0;
	s12 =	sadd.s32 $0x0, s21  }
0x59: {  	[sflag:s7] =	ssyncadd.s32 $0xFFFFC400;
	s14 =	sadd.s32 $0x0, s13;
	s15 =	sadd.s32 $0x5A0, s12  }
0x5a: {  	[tilespmem:s4], [sflag:$0x7] =	stream.linear.gather [hbm4b:s15+s4], $0x78, $0x38;
	[tilespmem:$0x1F300] =	vst v63  }
0x5b: {  	s21 =	sadd.s32 $0x5A0, s14  }
0x5c: {  	[tilespmem:s16], [sflag:$0xA] =	stream.linear.gather [hbm4b:s21+s4], $0x78, $0x38;
	[tilespmem:$0x1F300] =	vst v63  }
0x5d: {  	_ =	swait.ge [sflag:s8], $0x3C00  }
0x5e: {  	[sflag:s8] =	ssyncset.done $0x0  }
0x5f: {  	s13 =	sadd.s32 $0x780, s12;
	[sflag:s8] =	ssyncadd.s32 $0xFFFFC400  }
0x60: {  	[tilespmem:s17], [sflag:$0x8] =	stream.linear.gather [hbm4b:s13+s4], $0x78, $0x38;
	[tilespmem:$0x1F300] =	vst v63  }
0x61: {  	s21 =	sadd.s32 $0x780, s14  }
0x62: {  	[tilespmem:s18], [sflag:$0xB] =	stream.linear.gather [hbm4b:s21+s4], $0x78, $0x38;
	[tilespmem:$0x1F300] =	vst v63  }
0x63: {  	_ =	swait.ge [sflag:s9], $0x3C00  }
0x64: {  	[sflag:s9] =	ssyncset.done $0x0  }
0x65: {  	s12 =	sadd.s32 $0x960, s12;
	[sflag:s9] =	ssyncadd.s32 $0xFFFFC400  }
0x66: {  	[tilespmem:s19], [sflag:$0x9] =	stream.linear.gather [hbm4b:s12+s4], $0x78, $0x38;
	[tilespmem:$0x1F300] =	vst v63  }
0x67: {  	s15 =	sadd.s32 $0x960, s14;
	s12 =	simm.s32 $0x5A0  }
.LBB2_2:
0x68: {  	[tilespmem:s20], [sflag:$0xC] =	stream.linear.gather [hbm4b:s15+s4], $0x78, $0x38;
	[tilespmem:$0x1F300] =	vst v63  }
0x69: {  	_ =	swait.ge [sflag:s22], $0x78  }
0x6a: {  	[sflag:s22] =	ssyncset.done $0x0  }
0x6b: {  	[sflag:s22] =	ssyncadd.s32 $0xFFFFFF88  }
0x6c: {  	_ =	swait.ge [sflag:s23], $0x78  }
0x6d: {  	[sflag:s23] =	ssyncset.done $0x0  }
0x6e: {  	[sflag:s23] =	ssyncadd.s32 $0xFFFFFF88  }
0x6f: {  	_ =	swait.ge [sflag:s24], $0x78  }
0x70: {  	[sflag:s24] =	ssyncset.done $0x0  }
0x71: {  	[sflag:s24] =	ssyncadd.s32 $0xFFFFFF88  }
0x72: {  	[tilespmem:s26], [sflag:$0x1] =	stream.indirect.gather [hbm4b:s1+s25], $0x80, s4, s25, $0xb8;
	[tilespmem:$0x1F300] =	vst v63  }
0x73: {  	_ = 	snop  }
0x74: {  	[tilespmem:s28], [sflag:$0x2] =	stream.indirect.gather [hbm4b:s1+s25], $0x80, s17, s25, $0xb8;
	[tilespmem:$0x1F300] =	vst v63  }
0x75: {  	_ = 	snop  }
0x76: {  	[tilespmem:s29], [sflag:$0x3] =	stream.indirect.gather [hbm4b:s1+s25], $0x80, s19, s25, $0xb8;
	[tilespmem:$0x1F300] =	vst v63  }
0x77: {  	_ =	swait.ge [sflag:s30], $0x78  }
0x78: {  	[sflag:s30] =	ssyncset.done $0x0  }
0x79: {  	[sflag:s30] =	ssyncadd.s32 $0xFFFFFF88  }
0x7a: {  	_ =	swait.ge [sflag:s31], $0x3C00  }
0x7b: {  	[sflag:s31] =	ssyncset.done $0x0  }
0x7c: {  	[sflag:s31] =	ssyncadd.s32 $0xFFFFC400  }
0x7d: {  	_ =	swait.ge [sflag:s0], $0x78  }
0x7e: {  	[sflag:s0] =	ssyncset.done $0x0  }
0x7f: {  	[sflag:s0] =	ssyncadd.s32 $0xFFFFFF88  }
0x80: {  	_ =	swait.ge [sflag:s3], $0x3C00  }
0x81: {  	[sflag:s3] =	ssyncset.done $0x0  }
0x82: {  	[sflag:s3] =	ssyncadd.s32 $0xFFFFC400  }
0x83: {  	_ =	swait.ge [sflag:s5], $0x78  }
0x84: {  	[sflag:s5] =	ssyncset.done $0x0  }
0x85: {  	[sflag:s5] =	ssyncadd.s32 $0xFFFFFF88  }
0x86: {  	_ =	swait.ge [sflag:s6], $0x3C00  }
0x87: {  	[sflag:s6] =	ssyncset.done $0x0  }
0x88: {  	[sflag:s6] =	ssyncadd.s32 $0xFFFFC400  }
0x89: {  	[spmem:s2] =	stream.indirect.scatter.add.f32 [tilespmem:s26], [sflag:$0x4], $0x80, s16, s25, $0xb8;
	[tilespmem:$0x1F300] =	vst v63  }
0x8a: {  	_ = 	snop  }
0x8b: {  	[spmem:s2] =	stream.indirect.scatter.add.f32 [tilespmem:s28], [sflag:$0x5], $0x80, s18, s25, $0xb8;
	[tilespmem:$0x1F300] =	vst v63  }
0x8c: {  	_ = 	snop  }
0x8d: {  	[spmem:s2] =	stream.indirect.scatter.add.f32 [tilespmem:s29], [sflag:$0x6], $0x80, s20, s25, $0xb8;
	[tilespmem:$0x1F300] =	vst v63  }
0x8e: {  	_ =	swait.ge [sflag:s7], $0x3C00  }
0x8f: {  	s14 =	smov.u32 s12;
	s21 =	rddreg [dreg:$0x4]  }
0x90: {  	s13 =	rddreg [dreg:$0x5];
	[sflag:s7] =	ssyncset.done $0x0;
	s15 =	sadd.s32 s14, s21  }
0x91: {  	[sflag:s7] =	ssyncadd.s32 $0xFFFFC400;
	s13 =	sadd.s32 s14, s13;
	s21 =	sadd.s32 $0x5A0, s15  }
0x92: {  	[tilespmem:s4], [sflag:$0x7] =	stream.linear.gather [hbm4b:s21+s4], $0x78, $0x38;
	[tilespmem:$0x1F300] =	vst v63  }
0x93: {  	s14 =	sadd.s32 $0x5A0, s13  }
0x94: {  	[tilespmem:s16], [sflag:$0xA] =	stream.linear.gather [hbm4b:s14+s4], $0x78, $0x38;
	[tilespmem:$0x1F300] =	vst v63  }
0x95: {  	_ =	swait.ge [sflag:s8], $0x3C00  }
0x96: {  	[sflag:s8] =	ssyncset.done $0x0  }
0x97: {  	s14 =	sadd.s32 $0x780, s15;
	[sflag:s8] =	ssyncadd.s32 $0xFFFFC400  }
0x98: {  	[tilespmem:s17], [sflag:$0x8] =	stream.linear.gather [hbm4b:s14+s4], $0x78, $0x38;
	[tilespmem:$0x1F300] =	vst v63  }
0x99: {  	p0 =	sne.s32 s12, $0x97E0;
	s21 =	sadd.s32 $0x780, s13  }
0x9a: {  	[tilespmem:s18], [sflag:$0xB] =	stream.linear.gather [hbm4b:s21+s4], $0x78, $0x38;
	[tilespmem:$0x1F300] =	vst v63  }
.Ltmp0:
0x9b: {  	_ = 	snop;
	(pc) =	sbr.rel @p0 .LBB2_2-.Ltmp0, $4  }
0x9c: {  	_ =	swait.ge [sflag:s9], $0x3C00  }
0x9d: {  	s12 =	sadd.s32 $0x5A0, s12;
	[sflag:s9] =	ssyncset.done $0x0  }
0x9e: {  	s21 =	sadd.s32 $0x960, s15;
	s15 =	sadd.s32 $0x960, s13;
	[sflag:s9] =	ssyncadd.s32 $0xFFFFC400  }
0x9f: {  	[tilespmem:s19], [sflag:$0x9] =	stream.linear.gather [hbm4b:s21+s4], $0x78, $0x38;
	[tilespmem:$0x1F300] =	vst v63  }
0xa0: {  	[tilespmem:s20], [sflag:$0xC] =	stream.linear.gather [hbm4b:s15+s4], $0x78, $0x38;
	[tilespmem:$0x1F300] =	vst v63  }
0xa1: {  	_ =	swait.ge [sflag:s22], $0x78  }
0xa2: {  	[sflag:s22] =	ssyncset.done $0x0  }
0xa3: {  	[sflag:s22] =	ssyncadd.s32 $0xFFFFFF88  }
0xa4: {  	_ =	swait.ge [sflag:s30], $0x78  }
0xa5: {  	[sflag:s30] =	ssyncset.done $0x0  }
0xa6: {  	[sflag:s30] =	ssyncadd.s32 $0xFFFFFF88  }
0xa7: {  	_ =	swait.ge [sflag:s23], $0x78  }
0xa8: {  	[sflag:s23] =	ssyncset.done $0x0  }
0xa9: {  	[sflag:s23] =	ssyncadd.s32 $0xFFFFFF88  }
0xaa: {  	_ =	swait.ge [sflag:s0], $0x78  }
0xab: {  	[sflag:s0] =	ssyncset.done $0x0  }
0xac: {  	[sflag:s0] =	ssyncadd.s32 $0xFFFFFF88  }
0xad: {  	_ =	swait.ge [sflag:s24], $0x78  }
0xae: {  	[sflag:s24] =	ssyncset.done $0x0  }
0xaf: {  	[sflag:s24] =	ssyncadd.s32 $0xFFFFFF88  }
0xb0: {  	_ =	swait.ge [sflag:s5], $0x78  }
0xb1: {  	[sflag:s5] =	ssyncset.done $0x0  }
0xb2: {  	[sflag:s5] =	ssyncadd.s32 $0xFFFFFF88  }
0xb3: {  	[bflag:$0x0] =	sbarrier.arrive $0xFFFF  }
0xb4: {  	s13 =	rddreg [dreg:$0xe]  }
0xb5: {  	s14 =	simm.s32 $0xD;
	s12 =	rddreg [dreg:$0xf]  }
0xb6: {  	[hbm:s12], [sflag:s13] =	dma.local [spmem:s11], $0x2780  }
0xb7: {  	_ =	swait.ge [sflag:s14], $0x2780  }
0xb8: {  	s10 =	sadd.s32 $0x1, s10;
	s21 =	rddreg [dreg:$0x10]  }
0xb9: {  	p0 =	sne.s32 s10, s21  }
.Ltmp1:
0xba: {  	_ = 	snop;
	(pc) =	sbr.rel @p0 .LBB2_1-.Ltmp1, $3  }
0xbb: {  	_ =	sdelay $0x1  }
0xbc: {  	[sflag:s14] =	ssyncset.done $0x0  }
0xbd: {  	[sflag:s14] =	ssyncadd.s32 $0xFFFFD880  }
0xbe: {  	_ =	sfence.sel $0x180000  }
0xbf: {  	[bflag:$0x0] =	sbarrier.arrive $0xFFFF  }
0xc0: {  	_ =	strace $0x90000047  }
0xc1: {  	s0 =	stileid.u32;
	[bflag:$0x2] =	sbarrier.arrive $0xFFFF  }
0xc2: {  	p0 =	sne.s32 s0, $0x0;
	s0 =	rddreg [dreg:$0x3]  }
0xc3: {  	s0 =	sadd.s32 @!p0 $0x100000, s0  }
0xc4: {  	[sflag:s0] =	ssyncadd.tile.s32 @!p0 $0x1;
	_ =	shalt  }
.Lfunc_end2:
_tile_overlayer_lowered:
.L_overlay_start_2:
0xc5: {  	(tag) =	ssettag $0x2  }
0xc6: {  	s0 =	rddreg [dreg:$0x0];
	s2 =	stileid.u32  }
0xc7: {  	s1 =	rddreg [dreg:$0x1];
	p0 =	sne.s32 s2, $0x0  }
0xc8: {  	s3 =	rddreg [dreg:$0x2];
	[bflag:$0x3] =	sbarrier.arrive $0xFFFF;
	s2 =	simm.s32 @!p0 $0x1C0D  }
0xc9: {  	[timem:s3], [sflag:s2] =	dma.local @!p0 [hbm:s0], s1  }
0xca: {  	s0 =	simm.s32 @!p0 $0xD  }
0xcb: {  	_ =	swait.ge @!p0 [sflag:s0], s1  }
0xcc: {  	s1 =	ssub.s32 @!p0 $0x0, s1;
	[sflag:s0] =	ssyncset.done @!p0 $0x0  }
0xcd: {  	[sflag:s0] =	ssyncadd.s32 @!p0 s1  }
0xce: {  	[bflag:$0x3] =	sbarrier.arrive $0xFFFF  }
0xcf: {  	_ =	shalt  }

</sc_bundles>
